<compile_context>
chip_gen: v7x
topology: tpu7x:2x2x1
jax: 0.10.2.dev20260603
libtpu: 0.0.44.dev20260713+nightly
codegen_flags: <defaults>
</compile_context>

<pallas_src>
import functools

import jax
import jax.numpy as jnp
from jax import lax
from jax.experimental import pallas as pl
from jax.experimental.pallas import tpu as pltpu
from jax.experimental.pallas import tpu_sc as plsc

_NC = 2
_NS = 16
_L = 16
_B = 80
_RC = 200


def _qkv_body(x_ref, wq, bq, wk, bk, wv, bv, qt_ref, kvt_ref):
  x = x_ref[...]
  q = jnp.dot(x, wq[...], preferred_element_type=jnp.float32) + bq[...]
  k = jnp.dot(x, wk[...], preferred_element_type=jnp.float32) + bk[...]
  v = jnp.dot(x, wv[...], preferred_element_type=jnp.float32) + bv[...]
  qt_ref[0, :, :] = q[:, :64]
  qt_ref[1, :, :] = q[:, 64:]
  kvt_ref[0, :, :] = jnp.concatenate([k[:, :64], v[:, :64]], axis=1)
  kvt_ref[1, :, :] = jnp.concatenate([k[:, 64:], v[:, 64:]], axis=1)


def _qkv_tables(x, wq, bq, wk, bk, wv, bv):
  n, c = x.shape
  bn = 1000
  grid = n // bn
  full = lambda s: pl.BlockSpec(s, lambda i: (0,) * len(s))
  return pl.pallas_call(
      _qkv_body,
      grid=(grid,),
      in_specs=[
          pl.BlockSpec((bn, c), lambda i: (i, 0)),
          full((c, c)), full((1, c)),
          full((c, c)), full((1, c)),
          full((c, c)), full((1, c)),
      ],
      out_specs=[
          pl.BlockSpec((_NC, bn, 64), lambda i: (0, i, 0)),
          pl.BlockSpec((_NC, bn, 128), lambda i: (0, i, 0)),
      ],
      out_shape=[
          jax.ShapeDtypeStruct((_NC, n, 64), jnp.float32),
          jax.ShapeDtypeStruct((_NC, n, 128), jnp.float32),
      ],
  )(x, wq, bq, wk, bk, wv, bv)


def _sc_edge(qt, kvt, src, dst):
  n = qt.shape[1]
  e = src.shape[0]
  pt = e // _NS
  g_cnt = pt // _B
  rpt = n // _NS

  mesh = plsc.VectorSubcoreMesh(core_axis_name="c", subcore_axis_name="s")

  @functools.partial(
      pl.kernel,
      out_type=jax.ShapeDtypeStruct((_NC, n, 64), jnp.float32),
      mesh=mesh,
      compiler_params=pltpu.CompilerParams(
          needs_layout_passes=False, use_tc_tiling_on_sc=False),
      scratch_types=[
          pltpu.VMEM((_B,), jnp.int32),
          pltpu.VMEM((_B,), jnp.int32),
          pltpu.VMEM((_B, 64), jnp.float32),
          pltpu.VMEM((_B, 128), jnp.float32),
          pltpu.VMEM((_B, 80), jnp.float32),
          pltpu.VMEM((_RC, 80), jnp.float32),
          pltpu.VMEM((_RC, 64), jnp.float32),
          pltpu.VMEM_SHARED((n, 80), jnp.float32),
          pltpu.SemaphoreType.DMA,
      ],
  )
  def k(qt_hbm, kvt_hbm, src_hbm, dst_hbm, out_hbm,
        src_v, dst_v, q_v, kv_v, w_v, zbuf, obuf, acc, sem):
    c = lax.axis_index("c")
    s = lax.axis_index("s")

    zero16 = jnp.zeros((_L,), jnp.float32)

    def zrow(i, carry):
      for j in range(80 // _L):
        zbuf[i, pl.ds(_L * j, _L)] = zero16
      return carry

    lax.fori_loop(0, _RC, zrow, 0)
    n_chunks = n // _RC
    rounds = (n_chunks + _NS - 1) // _NS
    for r in range(rounds):
      cid = r * _NS + s

      @pl.when(cid < n_chunks)
      def _():
        row0 = pl.multiple_of(cid * _RC, 8)
        pltpu.sync_copy(zbuf, acc.at[pl.ds(row0, _RC)])

    plsc.subcore_barrier()

    qt_c = qt_hbm.at[c]
    kvt_c = kvt_hbm.at[c]
    lane = lax.iota(jnp.int32, _L)

    def chunk(g, carry):
      base = pl.multiple_of(s * pt + g * _B, 8)
      pltpu.sync_copy(src_hbm.at[pl.ds(base, _B)], src_v)
      pltpu.sync_copy(dst_hbm.at[pl.ds(base, _B)], dst_v)
      pltpu.async_copy(qt_c.at[dst_v], q_v, sem).wait()
      pltpu.async_copy(kvt_c.at[src_v], kv_v, sem).wait()

      def edge(i, icarry):
        den = jnp.zeros((_L,), jnp.float32)
        for h in range(4):
          qh = q_v[i, pl.ds(_L * h, _L)]
          kh = kv_v[i, pl.ds(_L * h, _L)]
          vh = kv_v[i, pl.ds(64 + _L * h, _L)]
          logit = jnp.sum(qh * kh) * 0.25
          ev = jnp.exp(jnp.full((_L,), logit, jnp.float32))
          w_v[i, pl.ds(_L * h, _L)] = ev * vh
          den = jnp.where(lane == h, ev, den)
        w_v[i, pl.ds(64, _L)] = den
        return icarry

      lax.fori_loop(0, _B, edge, 0)
      pltpu.sync_copy(w_v, acc.at[dst_v], add=True)
      return carry

    lax.fori_loop(0, g_cnt, chunk, 0)
    plsc.subcore_barrier()

    out_c = out_hbm.at[c]
    for r in range(rounds):
      cid = r * _NS + s

      @pl.when(cid < n_chunks)
      def _():
        row0 = pl.multiple_of(cid * _RC, 8)
        pltpu.sync_copy(acc.at[pl.ds(row0, _RC)], zbuf)

        def node(i, icarry):
          denv = zbuf[i, pl.ds(64, _L)]
          for h in range(4):
            dv = jnp.full((_L,), denv[h] + 1e-16, jnp.float32)
            obuf[i, pl.ds(_L * h, _L)] = zbuf[i, pl.ds(_L * h, _L)] / dv
          return icarry

        lax.fori_loop(0, _RC, node, 0)
        pltpu.sync_copy(obuf, out_c.at[pl.ds(row0, _RC)])

  return k(qt, kvt, src, dst)


def _ln(h, g, b):
  mu = jnp.mean(h, axis=-1, keepdims=True)
  var = jnp.mean((h - mu) ** 2, axis=-1, keepdims=True)
  return (h - mu) / jnp.sqrt(var + 1e-5) * g + b


def _post_body(x_ref, a_ref, ws, bs, w1, b1, w2, b2, g1, be1, g2, be2, o_ref):
  x = x_ref[...]
  agg = jnp.concatenate([a_ref[0, :, :], a_ref[1, :, :]], axis=1)
  attn = agg + jnp.dot(x, ws[...], preferred_element_type=jnp.float32) + bs[...]
  h = _ln(x + attn, g1[...], be1[...])
  ffn = jnp.maximum(jnp.dot(h, w1[...], preferred_element_type=jnp.float32) + b1[...], 0.0)
  ffn = jnp.dot(ffn, w2[...], preferred_element_type=jnp.float32) + b2[...]
  o_ref[...] = _ln(h + ffn, g2[...], be2[...])


def _post(x, agg2, ws, bs, w1, b1, w2, b2, g1, be1, g2, be2):
  n, c = x.shape
  bn = 1000
  grid = n // bn
  full = lambda s: pl.BlockSpec(s, lambda i: (0,) * len(s))
  return pl.pallas_call(
      _post_body,
      grid=(grid,),
      in_specs=[
          pl.BlockSpec((bn, c), lambda i: (i, 0)),
          pl.BlockSpec((_NC, bn, 64), lambda i: (0, i, 0)),
          full((c, c)), full((1, c)),
          full((c, 4 * c)), full((1, 4 * c)),
          full((4 * c, c)), full((1, c)),
          full((1, c)), full((1, c)),
          full((1, c)), full((1, c)),
      ],
      out_specs=pl.BlockSpec((bn, c), lambda i: (i, 0)),
      out_shape=jax.ShapeDtypeStruct((n, c), jnp.float32),
  )(x, agg2, ws, bs, w1, b1, w2, b2, g1, be1, g2, be2)


def kernel(x, edge_index, Wq, bq, Wk, bk, Wv, bv, Ws, bs, ln1_g, ln1_b,
           W1, b1, W2, b2, ln2_g, ln2_b):
  src = edge_index[0].astype(jnp.int32)
  dst = edge_index[1].astype(jnp.int32)
  r = lambda b: b.reshape(1, -1)
  qt, kvt = _qkv_tables(x, Wq, r(bq), Wk, r(bk), Wv, r(bv))
  agg2 = _sc_edge(qt, kvt, src, dst)
  return _post(x, agg2, Ws, r(bs), W1, r(b1), W2, r(b2),
               r(ln1_g), r(ln1_b), r(ln2_g), r(ln2_b))

# --- scband reference (transcript-rebuilt; emitter-appended) ---
"""Pipeline reference for scband-transformer-block-1812476199286 (READ-ONLY COPY).

The authoritative reference and input builder live on the scoring server;
editing this copy changes nothing except your own understanding.
"""

import jax, jax.numpy as jnp
import numpy as np

N = 10000
E = 320000
C = 128
H = 8
D = C // H


def _layernorm(x, g, b, eps=1e-5):
    mu = jnp.mean(x, axis=-1, keepdims=True)
    var = jnp.mean((x - mu) ** 2, axis=-1, keepdims=True)
    return (x - mu) / jnp.sqrt(var + eps) * g + b


def setup_inputs(seed: int = 0) -> dict:
    key = jax.random.key(seed)
    ks = [jax.random.fold_in(key, i) for i in range(20)]
    s = 1.0 / np.sqrt(C)
    inp = {}
    inp['x'] = jax.random.normal(ks[0], (N, C), dtype=jnp.float32)
    inp['edge_index'] = jax.random.randint(ks[1], (2, E), 0, N, dtype=jnp.int64)
    inp['Wq'] = jax.random.uniform(ks[2], (C, C), jnp.float32, -s, s)
    inp['bq'] = jax.random.uniform(ks[3], (C,), jnp.float32, -s, s)
    inp['Wk'] = jax.random.uniform(ks[4], (C, C), jnp.float32, -s, s)
    inp['bk'] = jax.random.uniform(ks[5], (C,), jnp.float32, -s, s)
    inp['Wv'] = jax.random.uniform(ks[6], (C, C), jnp.float32, -s, s)
    inp['bv'] = jax.random.uniform(ks[7], (C,), jnp.float32, -s, s)
    inp['Ws'] = jax.random.uniform(ks[8], (C, C), jnp.float32, -s, s)
    inp['bs'] = jax.random.uniform(ks[9], (C,), jnp.float32, -s, s)
    inp['ln1_g'] = jnp.ones((C,), dtype=jnp.float32)
    inp['ln1_b'] = jnp.zeros((C,), dtype=jnp.float32)
    s1 = 1.0 / np.sqrt(C)
    inp['W1'] = jax.random.uniform(ks[10], (C, 4 * C), jnp.float32, -s1, s1)
    inp['b1'] = jax.random.uniform(ks[11], (4 * C,), jnp.float32, -s1, s1)
    s2 = 1.0 / np.sqrt(4 * C)
    inp['W2'] = jax.random.uniform(ks[12], (4 * C, C), jnp.float32, -s2, s2)
    inp['b2'] = jax.random.uniform(ks[13], (C,), jnp.float32, -s2, s2)
    inp['ln2_g'] = jnp.ones((C,), dtype=jnp.float32)
    inp['ln2_b'] = jnp.zeros((C,), dtype=jnp.float32)
    return inp


def reference(x, edge_index, Wq, bq, Wk, bk, Wv, bv, Ws, bs, ln1_g, ln1_b, W1, b1, W2, b2, ln2_g, ln2_b):
    src = edge_index[0]
    dst = edge_index[1]
    n = x.shape[0]
    q = (x @ Wq + bq).reshape(n, H, D)
    k = (x @ Wk + bk).reshape(n, H, D)
    v = (x @ Wv + bv).reshape(n, H, D)
    # per-edge attention logits: query at dst, key/value at src (PyG TransformerConv)
    qe = q[dst]
    ke = k[src]
    ve = v[src]
    logits = jnp.sum(qe * ke, axis=-1) / jnp.sqrt(float(D))  # [E, H]
    # segment softmax over incoming edges of each dst node
    m = jax.ops.segment_max(logits, dst, num_segments=n)
    m = jnp.where(jnp.isfinite(m), m, 0.0)
    ex = jnp.exp(logits - m[dst])
    denom = jax.ops.segment_sum(ex, dst, num_segments=n)
    alpha = ex / (denom[dst] + 1e-16)  # [E, H]
    msg = alpha[:, :, None] * ve  # [E, H, D]
    agg = jax.ops.segment_sum(msg, dst, num_segments=n).reshape(n, C)
    attn_out = agg + x @ Ws + bs  # root/skip weight of TransformerConv
    h = x + attn_out
    h = _layernorm(h, ln1_g, ln1_b)
    ffn = jnp.maximum(h @ W1 + b1, 0.0) @ W2 + b2
    h2 = h + ffn
    out = _layernorm(h2, ln2_g, ln2_b)
    return out

if __name__ == "__main__":
    import jax
    _d = setup_inputs()
    print(jax.jit(kernel)(*tuple(_d.values())))

</pallas_src>

<mosaic_0001>
#map = affine_map<(d0, d1) -> (0, 0, 0)>
#map1 = affine_map<(d0, d1) -> (0)>
module attributes {stable_mosaic.version = 14 : i64} {
  func.func @k(%arg0: i32, %arg1: i32, %arg2: memref<2x10000x64xf32, #tpu.memory_space<hbm>>, %arg3: memref<2x10000x128xf32, #tpu.memory_space<hbm>>, %arg4: memref<320000xi32, #tpu.memory_space<hbm>>, %arg5: memref<320000xi32, #tpu.memory_space<hbm>>, %arg6: memref<2x10000x64xf32, #tpu.memory_space<hbm>>, %arg7: memref<80xi32, #tpu.memory_space<vmem>>, %arg8: memref<80xi32, #tpu.memory_space<vmem>>, %arg9: memref<80x64xf32, #tpu.memory_space<vmem>>, %arg10: memref<80x128xf32, #tpu.memory_space<vmem>>, %arg11: memref<80x80xf32, #tpu.memory_space<vmem>>, %arg12: memref<200x80xf32, #tpu.memory_space<vmem>>, %arg13: memref<200x64xf32, #tpu.memory_space<vmem>>, %arg14: memref<10000x80xf32, #tpu.memory_space<vmem_shared>>, %arg15: memref<!tpu.dma_semaphore, #tpu.memory_space<semaphore_mem>>) attributes {dimension_semantics = [#tpu.dimension_semantics<core_parallel>, #tpu.dimension_semantics<subcore_parallel>], iteration_bounds = array<i64: 2, 16>, scalar_prefetch = 0 : i64, scratch_operands = 9 : i64, tpu.core_type = #tpu.core_type<sc_vector_subcore>, window_params = [{transform_indices = #map}, {transform_indices = #map}, {transform_indices = #map1}, {transform_indices = #map1}, {transform_indices = #map}]} {
    %broadcast_in_dim3A = arith.constant 0.000000e+00 : f32
    %broadcast_in_dim3A_0 = vector.broadcast %broadcast_in_dim3A : f32 to vector<16xf32>
    %scan3A = arith.constant 0 : i32
    %scan3A_1 = arith.constant 0 : i32
    %scan3A_2 = arith.constant 200 : i32
    %scan3A_3 = arith.addi %scan3A_1, %scan3A_2 : i32
    %scan3A_4 = arith.constant 1 : i32
    scf.for %scan3A_65 = %scan3A_1 to %scan3A_3 step %scan3A_4  : i32 {
      %swap3A = arith.index_cast %scan3A_65 : i32 to index
      %swap3A_66 = arith.constant 0 : index
      %swap3A_67 = tpu.vector_load %arg12[%swap3A, %swap3A_66] {strides = array<i32>} : memref<200x80xf32, #tpu.memory_space<vmem>>, vector<16xf32>,
      tpu.vector_store %arg12[%swap3A, %swap3A_66], %broadcast_in_dim3A_0 {strides = array<i32>} : memref<200x80xf32, #tpu.memory_space<vmem>>, vector<16xf32>,
      %swap3A_68 = arith.index_cast %scan3A_65 : i32 to index
      %swap3A_69 = arith.constant 16 : index
      %swap3A_70 = tpu.vector_load %arg12[%swap3A_68, %swap3A_69] {strides = array<i32>} : memref<200x80xf32, #tpu.memory_space<vmem>>, vector<16xf32>,
      tpu.vector_store %arg12[%swap3A_68, %swap3A_69], %broadcast_in_dim3A_0 {strides = array<i32>} : memref<200x80xf32, #tpu.memory_space<vmem>>, vector<16xf32>,
      %swap3A_71 = arith.index_cast %scan3A_65 : i32 to index
      %swap3A_72 = arith.constant 32 : index
      %swap3A_73 = tpu.vector_load %arg12[%swap3A_71, %swap3A_72] {strides = array<i32>} : memref<200x80xf32, #tpu.memory_space<vmem>>, vector<16xf32>,
      tpu.vector_store %arg12[%swap3A_71, %swap3A_72], %broadcast_in_dim3A_0 {strides = array<i32>} : memref<200x80xf32, #tpu.memory_space<vmem>>, vector<16xf32>,
      %swap3A_74 = arith.index_cast %scan3A_65 : i32 to index
      %swap3A_75 = arith.constant 48 : index
      %swap3A_76 = tpu.vector_load %arg12[%swap3A_74, %swap3A_75] {strides = array<i32>} : memref<200x80xf32, #tpu.memory_space<vmem>>, vector<16xf32>,
      tpu.vector_store %arg12[%swap3A_74, %swap3A_75], %broadcast_in_dim3A_0 {strides = array<i32>} : memref<200x80xf32, #tpu.memory_space<vmem>>, vector<16xf32>,
      %swap3A_77 = arith.index_cast %scan3A_65 : i32 to index
      %swap3A_78 = arith.constant 64 : index
      %swap3A_79 = tpu.vector_load %arg12[%swap3A_77, %swap3A_78] {strides = array<i32>} : memref<200x80xf32, #tpu.memory_space<vmem>>, vector<16xf32>,
      tpu.vector_store %arg12[%swap3A_77, %swap3A_78], %broadcast_in_dim3A_0 {strides = array<i32>} : memref<200x80xf32, #tpu.memory_space<vmem>>, vector<16xf32>,
    }
    %scan3A_5 = arith.constant 200 : i32
    %add3A = arith.constant 0 : i32
    %add3A_6 = arith.addi %add3A, %arg1 : i32
    %lt3A = arith.constant 50 : i32
    %lt3A_7 = arith.cmpi slt, %add3A_6, %lt3A : i32
    %convert_element_type3A = arith.extui %lt3A_7 : i1 to i32
    %cond3A = arith.constant 0 : i32
    %cond3A_8 = arith.cmpi ne, %convert_element_type3A, %cond3A : i32
    scf.if %cond3A_8 {
      %mul3A = arith.constant 200 : i32
      %mul3A_65 = arith.muli %add3A_6, %mul3A : i32
      %multiple_of3A = tpu.assume_multiple %mul3A_65, 8 : i32
      "tpu.region"() ({
        %run_scoped3A = tpu.sem_alloc : memref<!tpu.dma_semaphore, #tpu.memory_space<semaphore_mem>>
        %dma_start3A = arith.constant 0 : i32
        %dma_start3A_66 = tpu.memref_slice %arg14[%multiple_of3A, %dma_start3A] : memref<10000x80xf32, #tpu.memory_space<vmem_shared>> -> memref<200x80xf32, #tpu.memory_space<vmem_shared>>
        %dma_start3A_67 = arith.constant 0 : i32
        %dma_start3A_68 = tpu.memref_slice %arg14[%multiple_of3A, %dma_start3A_67] : memref<10000x80xf32, #tpu.memory_space<vmem_shared>> -> memref<200x80xf32, #tpu.memory_space<vmem_shared>>
        tpu.enqueue_dma source(%arg12 : memref<200x80xf32, #tpu.memory_space<vmem>>) target(%dma_start3A_68 : memref<200x80xf32, #tpu.memory_space<vmem_shared>>) target_semaphore(%run_scoped3A : memref<!tpu.dma_semaphore, #tpu.memory_space<semaphore_mem>>)
        %dma_wait3A = arith.constant 0 : i32
        %dma_wait3A_69 = tpu.memref_slice %arg14[%multiple_of3A, %dma_wait3A] : memref<10000x80xf32, #tpu.memory_space<vmem_shared>> -> memref<200x80xf32, #tpu.memory_space<vmem_shared>>
        %dma_wait3A_70 = arith.constant 0 : i32
        %dma_wait3A_71 = tpu.memref_slice %arg14[%multiple_of3A, %dma_wait3A_70] : memref<10000x80xf32, #tpu.memory_space<vmem_shared>> -> memref<200x80xf32, #tpu.memory_space<vmem_shared>>
        tpu.wait_dma2 semaphore(%run_scoped3A : memref<!tpu.dma_semaphore, #tpu.memory_space<semaphore_mem>>) src(%arg12 : memref<200x80xf32, #tpu.memory_space<vmem>>) dst(%dma_wait3A_71 : memref<200x80xf32, #tpu.memory_space<vmem_shared>>)
        tpu.yield
      }) : () -> ()
    } else {
    }
    %add3A_9 = arith.constant 16 : i32
    %add3A_10 = arith.addi %add3A_9, %arg1 : i32
    %lt3A_11 = arith.constant 50 : i32
    %lt3A_12 = arith.cmpi slt, %add3A_10, %lt3A_11 : i32
    %convert_element_type3A_13 = arith.extui %lt3A_12 : i1 to i32
    %cond3A_14 = arith.constant 0 : i32
    %cond3A_15 = arith.cmpi ne, %convert_element_type3A_13, %cond3A_14 : i32
    scf.if %cond3A_15 {
      %mul3A = arith.constant 200 : i32
      %mul3A_65 = arith.muli %add3A_10, %mul3A : i32
      %multiple_of3A = tpu.assume_multiple %mul3A_65, 8 : i32
      "tpu.region"() ({
        %run_scoped3A = tpu.sem_alloc : memref<!tpu.dma_semaphore, #tpu.memory_space<semaphore_mem>>
        %dma_start3A = arith.constant 0 : i32
        %dma_start3A_66 = tpu.memref_slice %arg14[%multiple_of3A, %dma_start3A] : memref<10000x80xf32, #tpu.memory_space<vmem_shared>> -> memref<200x80xf32, #tpu.memory_space<vmem_shared>>
        %dma_start3A_67 = arith.constant 0 : i32
        %dma_start3A_68 = tpu.memref_slice %arg14[%multiple_of3A, %dma_start3A_67] : memref<10000x80xf32, #tpu.memory_space<vmem_shared>> -> memref<200x80xf32, #tpu.memory_space<vmem_shared>>
        tpu.enqueue_dma source(%arg12 : memref<200x80xf32, #tpu.memory_space<vmem>>) target(%dma_start3A_68 : memref<200x80xf32, #tpu.memory_space<vmem_shared>>) target_semaphore(%run_scoped3A : memref<!tpu.dma_semaphore, #tpu.memory_space<semaphore_mem>>)
        %dma_wait3A = arith.constant 0 : i32
        %dma_wait3A_69 = tpu.memref_slice %arg14[%multiple_of3A, %dma_wait3A] : memref<10000x80xf32, #tpu.memory_space<vmem_shared>> -> memref<200x80xf32, #tpu.memory_space<vmem_shared>>
        %dma_wait3A_70 = arith.constant 0 : i32
        %dma_wait3A_71 = tpu.memref_slice %arg14[%multiple_of3A, %dma_wait3A_70] : memref<10000x80xf32, #tpu.memory_space<vmem_shared>> -> memref<200x80xf32, #tpu.memory_space<vmem_shared>>
        tpu.wait_dma2 semaphore(%run_scoped3A : memref<!tpu.dma_semaphore, #tpu.memory_space<semaphore_mem>>) src(%arg12 : memref<200x80xf32, #tpu.memory_space<vmem>>) dst(%dma_wait3A_71 : memref<200x80xf32, #tpu.memory_space<vmem_shared>>)
        tpu.yield
      }) : () -> ()
    } else {
    }
    %add3A_16 = arith.constant 32 : i32
    %add3A_17 = arith.addi %add3A_16, %arg1 : i32
    %lt3A_18 = arith.constant 50 : i32
    %lt3A_19 = arith.cmpi slt, %add3A_17, %lt3A_18 : i32
    %convert_element_type3A_20 = arith.extui %lt3A_19 : i1 to i32
    %cond3A_21 = arith.constant 0 : i32
    %cond3A_22 = arith.cmpi ne, %convert_element_type3A_20, %cond3A_21 : i32
    scf.if %cond3A_22 {
      %mul3A = arith.constant 200 : i32
      %mul3A_65 = arith.muli %add3A_17, %mul3A : i32
      %multiple_of3A = tpu.assume_multiple %mul3A_65, 8 : i32
      "tpu.region"() ({
        %run_scoped3A = tpu.sem_alloc : memref<!tpu.dma_semaphore, #tpu.memory_space<semaphore_mem>>
        %dma_start3A = arith.constant 0 : i32
        %dma_start3A_66 = tpu.memref_slice %arg14[%multiple_of3A, %dma_start3A] : memref<10000x80xf32, #tpu.memory_space<vmem_shared>> -> memref<200x80xf32, #tpu.memory_space<vmem_shared>>
        %dma_start3A_67 = arith.constant 0 : i32
        %dma_start3A_68 = tpu.memref_slice %arg14[%multiple_of3A, %dma_start3A_67] : memref<10000x80xf32, #tpu.memory_space<vmem_shared>> -> memref<200x80xf32, #tpu.memory_space<vmem_shared>>
        tpu.enqueue_dma source(%arg12 : memref<200x80xf32, #tpu.memory_space<vmem>>) target(%dma_start3A_68 : memref<200x80xf32, #tpu.memory_space<vmem_shared>>) target_semaphore(%run_scoped3A : memref<!tpu.dma_semaphore, #tpu.memory_space<semaphore_mem>>)
        %dma_wait3A = arith.constant 0 : i32
        %dma_wait3A_69 = tpu.memref_slice %arg14[%multiple_of3A, %dma_wait3A] : memref<10000x80xf32, #tpu.memory_space<vmem_shared>> -> memref<200x80xf32, #tpu.memory_space<vmem_shared>>
        %dma_wait3A_70 = arith.constant 0 : i32
        %dma_wait3A_71 = tpu.memref_slice %arg14[%multiple_of3A, %dma_wait3A_70] : memref<10000x80xf32, #tpu.memory_space<vmem_shared>> -> memref<200x80xf32, #tpu.memory_space<vmem_shared>>
        tpu.wait_dma2 semaphore(%run_scoped3A : memref<!tpu.dma_semaphore, #tpu.memory_space<semaphore_mem>>) src(%arg12 : memref<200x80xf32, #tpu.memory_space<vmem>>) dst(%dma_wait3A_71 : memref<200x80xf32, #tpu.memory_space<vmem_shared>>)
        tpu.yield
      }) : () -> ()
    } else {
    }
    %add3A_23 = arith.constant 48 : i32
    %add3A_24 = arith.addi %add3A_23, %arg1 : i32
    %lt3A_25 = arith.constant 50 : i32
    %lt3A_26 = arith.cmpi slt, %add3A_24, %lt3A_25 : i32
    %convert_element_type3A_27 = arith.extui %lt3A_26 : i1 to i32
    %cond3A_28 = arith.constant 0 : i32
    %cond3A_29 = arith.cmpi ne, %convert_element_type3A_27, %cond3A_28 : i32
    scf.if %cond3A_29 {
      %mul3A = arith.constant 200 : i32
      %mul3A_65 = arith.muli %add3A_24, %mul3A : i32
      %multiple_of3A = tpu.assume_multiple %mul3A_65, 8 : i32
      "tpu.region"() ({
        %run_scoped3A = tpu.sem_alloc : memref<!tpu.dma_semaphore, #tpu.memory_space<semaphore_mem>>
        %dma_start3A = arith.constant 0 : i32
        %dma_start3A_66 = tpu.memref_slice %arg14[%multiple_of3A, %dma_start3A] : memref<10000x80xf32, #tpu.memory_space<vmem_shared>> -> memref<200x80xf32, #tpu.memory_space<vmem_shared>>
        %dma_start3A_67 = arith.constant 0 : i32
        %dma_start3A_68 = tpu.memref_slice %arg14[%multiple_of3A, %dma_start3A_67] : memref<10000x80xf32, #tpu.memory_space<vmem_shared>> -> memref<200x80xf32, #tpu.memory_space<vmem_shared>>
        tpu.enqueue_dma source(%arg12 : memref<200x80xf32, #tpu.memory_space<vmem>>) target(%dma_start3A_68 : memref<200x80xf32, #tpu.memory_space<vmem_shared>>) target_semaphore(%run_scoped3A : memref<!tpu.dma_semaphore, #tpu.memory_space<semaphore_mem>>)
        %dma_wait3A = arith.constant 0 : i32
        %dma_wait3A_69 = tpu.memref_slice %arg14[%multiple_of3A, %dma_wait3A] : memref<10000x80xf32, #tpu.memory_space<vmem_shared>> -> memref<200x80xf32, #tpu.memory_space<vmem_shared>>
        %dma_wait3A_70 = arith.constant 0 : i32
        %dma_wait3A_71 = tpu.memref_slice %arg14[%multiple_of3A, %dma_wait3A_70] : memref<10000x80xf32, #tpu.memory_space<vmem_shared>> -> memref<200x80xf32, #tpu.memory_space<vmem_shared>>
        tpu.wait_dma2 semaphore(%run_scoped3A : memref<!tpu.dma_semaphore, #tpu.memory_space<semaphore_mem>>) src(%arg12 : memref<200x80xf32, #tpu.memory_space<vmem>>) dst(%dma_wait3A_71 : memref<200x80xf32, #tpu.memory_space<vmem_shared>>)
        tpu.yield
      }) : () -> ()
    } else {
    }
    %barrier3A = arith.constant 0 : index
    tpu.barrier barrier_id(%barrier3A)
    %iota3A = tpu.iota {dimensions = array<i32: 0>} : vector<16xi32>
    %scan3A_30 = arith.constant 0 : i32
    %scan3A_31 = arith.constant 0 : i32
    %scan3A_32 = arith.constant 250 : i32
    %scan3A_33 = arith.addi %scan3A_31, %scan3A_32 : i32
    %scan3A_34 = arith.constant 1 : i32
    scf.for %scan3A_65 = %scan3A_31 to %scan3A_33 step %scan3A_34  : i32 {
      %mul3A = arith.constant 20000 : i32
      %mul3A_66 = arith.muli %arg1, %mul3A : i32
      %mul3A_67 = arith.constant 80 : i32
      %mul3A_68 = arith.muli %scan3A_65, %mul3A_67 : i32
      %add3A_69 = arith.addi %mul3A_66, %mul3A_68 : i32
      %multiple_of3A = tpu.assume_multiple %add3A_69, 8 : i32
      "tpu.region"() ({
        %run_scoped3A = tpu.sem_alloc : memref<!tpu.dma_semaphore, #tpu.memory_space<semaphore_mem>>
        %dma_start3A_102 = tpu.memref_slice %arg4[%multiple_of3A] : memref<320000xi32, #tpu.memory_space<hbm>> -> memref<80xi32, #tpu.memory_space<hbm>>
        %dma_start3A_103 = tpu.memref_slice %arg4[%multiple_of3A] : memref<320000xi32, #tpu.memory_space<hbm>> -> memref<80xi32, #tpu.memory_space<hbm>>
        tpu.enqueue_dma source(%dma_start3A_103 : memref<80xi32, #tpu.memory_space<hbm>>) target(%arg7 : memref<80xi32, #tpu.memory_space<vmem>>) target_semaphore(%run_scoped3A : memref<!tpu.dma_semaphore, #tpu.memory_space<semaphore_mem>>)
        %dma_wait3A_104 = tpu.memref_slice %arg4[%multiple_of3A] : memref<320000xi32, #tpu.memory_space<hbm>> -> memref<80xi32, #tpu.memory_space<hbm>>
        %dma_wait3A_105 = tpu.memref_slice %arg4[%multiple_of3A] : memref<320000xi32, #tpu.memory_space<hbm>> -> memref<80xi32, #tpu.memory_space<hbm>>
        tpu.wait_dma2 semaphore(%run_scoped3A : memref<!tpu.dma_semaphore, #tpu.memory_space<semaphore_mem>>) src(%dma_wait3A_105 : memref<80xi32, #tpu.memory_space<hbm>>) dst(%arg7 : memref<80xi32, #tpu.memory_space<vmem>>)
        tpu.yield
      }) : () -> ()
      "tpu.region"() ({
        %run_scoped3A = tpu.sem_alloc : memref<!tpu.dma_semaphore, #tpu.memory_space<semaphore_mem>>
        %dma_start3A_102 = tpu.memref_slice %arg5[%multiple_of3A] : memref<320000xi32, #tpu.memory_space<hbm>> -> memref<80xi32, #tpu.memory_space<hbm>>
        %dma_start3A_103 = tpu.memref_slice %arg5[%multiple_of3A] : memref<320000xi32, #tpu.memory_space<hbm>> -> memref<80xi32, #tpu.memory_space<hbm>>
        tpu.enqueue_dma source(%dma_start3A_103 : memref<80xi32, #tpu.memory_space<hbm>>) target(%arg8 : memref<80xi32, #tpu.memory_space<vmem>>) target_semaphore(%run_scoped3A : memref<!tpu.dma_semaphore, #tpu.memory_space<semaphore_mem>>)
        %dma_wait3A_104 = tpu.memref_slice %arg5[%multiple_of3A] : memref<320000xi32, #tpu.memory_space<hbm>> -> memref<80xi32, #tpu.memory_space<hbm>>
        %dma_wait3A_105 = tpu.memref_slice %arg5[%multiple_of3A] : memref<320000xi32, #tpu.memory_space<hbm>> -> memref<80xi32, #tpu.memory_space<hbm>>
        tpu.wait_dma2 semaphore(%run_scoped3A : memref<!tpu.dma_semaphore, #tpu.memory_space<semaphore_mem>>) src(%dma_wait3A_105 : memref<80xi32, #tpu.memory_space<hbm>>) dst(%arg8 : memref<80xi32, #tpu.memory_space<vmem>>)
        tpu.yield
      }) : () -> ()
      %dma_start3A = arith.constant 0 : i32
      %dma_start3A_70 = arith.constant 0 : i32
      %dma_start3A_71 = tpu.memref_slice %arg2[%arg0, %dma_start3A, %dma_start3A_70] : memref<2x10000x64xf32, #tpu.memory_space<hbm>> -> memref<1x10000x64xf32, #tpu.memory_space<hbm>>
      %dma_start3A_72 = tpu.memref_squeeze %dma_start3A_71 : memref<1x10000x64xf32, #tpu.memory_space<hbm>> -> memref<10000x64xf32, #tpu.memory_space<hbm>>
      %dma_start3A_73 = arith.constant 0 : i32
      %dma_start3A_74 = arith.constant 0 : i32
      %dma_start3A_75 = tpu.memref_slice %dma_start3A_72[%dma_start3A_73, %dma_start3A_74] : memref<10000x64xf32, #tpu.memory_space<hbm>> -> memref<10000x64xf32, #tpu.memory_space<hbm>>
      tpu.enqueue_indirect_dma source(%dma_start3A_75 : memref<10000x64xf32, #tpu.memory_space<hbm>>) target(%arg9 : memref<80x64xf32, #tpu.memory_space<vmem>>) offsets(%arg8 : memref<80xi32, #tpu.memory_space<vmem>>) semaphore(%arg15 : memref<!tpu.dma_semaphore, #tpu.memory_space<semaphore_mem>>)
      %dma_wait3A = arith.constant 0 : i32
      %dma_wait3A_76 = arith.constant 0 : i32
      %dma_wait3A_77 = tpu.memref_slice %arg2[%arg0, %dma_wait3A, %dma_wait3A_76] : memref<2x10000x64xf32, #tpu.memory_space<hbm>> -> memref<1x10000x64xf32, #tpu.memory_space<hbm>>
      %dma_wait3A_78 = tpu.memref_squeeze %dma_wait3A_77 : memref<1x10000x64xf32, #tpu.memory_space<hbm>> -> memref<10000x64xf32, #tpu.memory_space<hbm>>
      %dma_wait3A_79 = arith.constant 0 : i32
      %dma_wait3A_80 = arith.constant 0 : i32
      %dma_wait3A_81 = tpu.memref_slice %dma_wait3A_78[%dma_wait3A_79, %dma_wait3A_80] : memref<10000x64xf32, #tpu.memory_space<hbm>> -> memref<10000x64xf32, #tpu.memory_space<hbm>>
      tpu.wait_indirect_dma semaphore(%arg15 : memref<!tpu.dma_semaphore, #tpu.memory_space<semaphore_mem>>) src(%dma_wait3A_81 : memref<10000x64xf32, #tpu.memory_space<hbm>>) dst(%arg9 : memref<80x64xf32, #tpu.memory_space<vmem>>)
      %dma_start3A_82 = arith.constant 0 : i32
      %dma_start3A_83 = arith.constant 0 : i32
      %dma_start3A_84 = tpu.memref_slice %arg3[%arg0, %dma_start3A_82, %dma_start3A_83] : memref<2x10000x128xf32, #tpu.memory_space<hbm>> -> memref<1x10000x128xf32, #tpu.memory_space<hbm>>
      %dma_start3A_85 = tpu.memref_squeeze %dma_start3A_84 : memref<1x10000x128xf32, #tpu.memory_space<hbm>> -> memref<10000x128xf32, #tpu.memory_space<hbm>>
      %dma_start3A_86 = arith.constant 0 : i32
      %dma_start3A_87 = arith.constant 0 : i32
      %dma_start3A_88 = tpu.memref_slice %dma_start3A_85[%dma_start3A_86, %dma_start3A_87] : memref<10000x128xf32, #tpu.memory_space<hbm>> -> memref<10000x128xf32, #tpu.memory_space<hbm>>
      tpu.enqueue_indirect_dma source(%dma_start3A_88 : memref<10000x128xf32, #tpu.memory_space<hbm>>) target(%arg10 : memref<80x128xf32, #tpu.memory_space<vmem>>) offsets(%arg7 : memref<80xi32, #tpu.memory_space<vmem>>) semaphore(%arg15 : memref<!tpu.dma_semaphore, #tpu.memory_space<semaphore_mem>>)
      %dma_wait3A_89 = arith.constant 0 : i32
      %dma_wait3A_90 = arith.constant 0 : i32
      %dma_wait3A_91 = tpu.memref_slice %arg3[%arg0, %dma_wait3A_89, %dma_wait3A_90] : memref<2x10000x128xf32, #tpu.memory_space<hbm>> -> memref<1x10000x128xf32, #tpu.memory_space<hbm>>
      %dma_wait3A_92 = tpu.memref_squeeze %dma_wait3A_91 : memref<1x10000x128xf32, #tpu.memory_space<hbm>> -> memref<10000x128xf32, #tpu.memory_space<hbm>>
      %dma_wait3A_93 = arith.constant 0 : i32
      %dma_wait3A_94 = arith.constant 0 : i32
      %dma_wait3A_95 = tpu.memref_slice %dma_wait3A_92[%dma_wait3A_93, %dma_wait3A_94] : memref<10000x128xf32, #tpu.memory_space<hbm>> -> memref<10000x128xf32, #tpu.memory_space<hbm>>
      tpu.wait_indirect_dma semaphore(%arg15 : memref<!tpu.dma_semaphore, #tpu.memory_space<semaphore_mem>>) src(%dma_wait3A_95 : memref<10000x128xf32, #tpu.memory_space<hbm>>) dst(%arg10 : memref<80x128xf32, #tpu.memory_space<vmem>>)
      %scan3A_96 = arith.constant 0 : i32
      %scan3A_97 = arith.constant 0 : i32
      %scan3A_98 = arith.constant 80 : i32
      %scan3A_99 = arith.addi %scan3A_97, %scan3A_98 : i32
      %scan3A_100 = arith.constant 1 : i32
      scf.for %scan3A_102 = %scan3A_97 to %scan3A_99 step %scan3A_100  : i32 {
        %broadcast_in_dim3A_103 = arith.constant 0.000000e+00 : f32
        %broadcast_in_dim3A_104 = vector.broadcast %broadcast_in_dim3A_103 : f32 to vector<16xf32>
        %get3A = arith.index_cast %scan3A_102 : i32 to index
        %get3A_105 = arith.constant 0 : index
        %get3A_106 = tpu.vector_load %arg9[%get3A, %get3A_105] {strides = array<i32>} : memref<80x64xf32, #tpu.memory_space<vmem>>, vector<16xf32>,
        %get3A_107 = arith.index_cast %scan3A_102 : i32 to index
        %get3A_108 = arith.constant 0 : index
        %get3A_109 = tpu.vector_load %arg10[%get3A_107, %get3A_108] {strides = array<i32>} : memref<80x128xf32, #tpu.memory_space<vmem>>, vector<16xf32>,
        %get3A_110 = arith.index_cast %scan3A_102 : i32 to index
        %get3A_111 = arith.constant 64 : index
        %get3A_112 = tpu.vector_load %arg10[%get3A_110, %get3A_111] {strides = array<i32>} : memref<80x128xf32, #tpu.memory_space<vmem>>, vector<16xf32>,
        %mul3A_113 = arith.mulf %get3A_106, %get3A_109 : vector<16xf32>
        %reduce_sum3A = arith.constant true
        %reduce_sum3A_114 = vector.broadcast %reduce_sum3A : i1 to vector<16xi1>
        %reduce_sum3A_115 = tpu.scan <sum>, %mul3A_113 masked %reduce_sum3A_114 : vector<16xf32>, vector<16xi1> -> vector<16xf32>
        %reduce_sum3A_116 = vector.extract %reduce_sum3A_115[15] : f32 from vector<16xf32>
        %mul3A_117 = arith.constant 2.500000e-01 : f32
        %mul3A_118 = arith.mulf %reduce_sum3A_116, %mul3A_117 : f32
        %broadcast_in_dim3A_119 = vector.broadcast %mul3A_118 : f32 to vector<16xf32>
        %exp3A = math.exp %broadcast_in_dim3A_119 : vector<16xf32>
        %mul3A_120 = arith.mulf %exp3A, %get3A_112 : vector<16xf32>
        %swap3A = arith.index_cast %scan3A_102 : i32 to index
        %swap3A_121 = arith.constant 0 : index
        %swap3A_122 = tpu.vector_load %arg11[%swap3A, %swap3A_121] {strides = array<i32>} : memref<80x80xf32, #tpu.memory_space<vmem>>, vector<16xf32>,
        tpu.vector_store %arg11[%swap3A, %swap3A_121], %mul3A_120 {strides = array<i32>} : memref<80x80xf32, #tpu.memory_space<vmem>>, vector<16xf32>,
        %eq3A = arith.constant 0 : i32
        %eq3A_123 = vector.broadcast %eq3A : i32 to vector<16xi32>
        %eq3A_124 = arith.cmpi eq, %iota3A, %eq3A_123 : vector<16xi32>
        %select_n3A = arith.select %eq3A_124, %exp3A, %broadcast_in_dim3A_104 : vector<16xi1>, vector<16xf32>
        %get3A_125 = arith.index_cast %scan3A_102 : i32 to index
        %get3A_126 = arith.constant 16 : index
        %get3A_127 = tpu.vector_load %arg9[%get3A_125, %get3A_126] {strides = array<i32>} : memref<80x64xf32, #tpu.memory_space<vmem>>, vector<16xf32>,
        %get3A_128 = arith.index_cast %scan3A_102 : i32 to index
        %get3A_129 = arith.constant 16 : index
        %get3A_130 = tpu.vector_load %arg10[%get3A_128, %get3A_129] {strides = array<i32>} : memref<80x128xf32, #tpu.memory_space<vmem>>, vector<16xf32>,
        %get3A_131 = arith.index_cast %scan3A_102 : i32 to index
        %get3A_132 = arith.constant 80 : index
        %get3A_133 = tpu.vector_load %arg10[%get3A_131, %get3A_132] {strides = array<i32>} : memref<80x128xf32, #tpu.memory_space<vmem>>, vector<16xf32>,
        %mul3A_134 = arith.mulf %get3A_127, %get3A_130 : vector<16xf32>
        %reduce_sum3A_135 = arith.constant true
        %reduce_sum3A_136 = vector.broadcast %reduce_sum3A_135 : i1 to vector<16xi1>
        %reduce_sum3A_137 = tpu.scan <sum>, %mul3A_134 masked %reduce_sum3A_136 : vector<16xf32>, vector<16xi1> -> vector<16xf32>
        %reduce_sum3A_138 = vector.extract %reduce_sum3A_137[15] : f32 from vector<16xf32>
        %mul3A_139 = arith.constant 2.500000e-01 : f32
        %mul3A_140 = arith.mulf %reduce_sum3A_138, %mul3A_139 : f32
        %broadcast_in_dim3A_141 = vector.broadcast %mul3A_140 : f32 to vector<16xf32>
        %exp3A_142 = math.exp %broadcast_in_dim3A_141 : vector<16xf32>
        %mul3A_143 = arith.mulf %exp3A_142, %get3A_133 : vector<16xf32>
        %swap3A_144 = arith.index_cast %scan3A_102 : i32 to index
        %swap3A_145 = arith.constant 16 : index
        %swap3A_146 = tpu.vector_load %arg11[%swap3A_144, %swap3A_145] {strides = array<i32>} : memref<80x80xf32, #tpu.memory_space<vmem>>, vector<16xf32>,
        tpu.vector_store %arg11[%swap3A_144, %swap3A_145], %mul3A_143 {strides = array<i32>} : memref<80x80xf32, #tpu.memory_space<vmem>>, vector<16xf32>,
        %eq3A_147 = arith.constant 1 : i32
        %eq3A_148 = vector.broadcast %eq3A_147 : i32 to vector<16xi32>
        %eq3A_149 = arith.cmpi eq, %iota3A, %eq3A_148 : vector<16xi32>
        %select_n3A_150 = arith.select %eq3A_149, %exp3A_142, %select_n3A : vector<16xi1>, vector<16xf32>
        %get3A_151 = arith.index_cast %scan3A_102 : i32 to index
        %get3A_152 = arith.constant 32 : index
        %get3A_153 = tpu.vector_load %arg9[%get3A_151, %get3A_152] {strides = array<i32>} : memref<80x64xf32, #tpu.memory_space<vmem>>, vector<16xf32>,
        %get3A_154 = arith.index_cast %scan3A_102 : i32 to index
        %get3A_155 = arith.constant 32 : index
        %get3A_156 = tpu.vector_load %arg10[%get3A_154, %get3A_155] {strides = array<i32>} : memref<80x128xf32, #tpu.memory_space<vmem>>, vector<16xf32>,
        %get3A_157 = arith.index_cast %scan3A_102 : i32 to index
        %get3A_158 = arith.constant 96 : index
        %get3A_159 = tpu.vector_load %arg10[%get3A_157, %get3A_158] {strides = array<i32>} : memref<80x128xf32, #tpu.memory_space<vmem>>, vector<16xf32>,
        %mul3A_160 = arith.mulf %get3A_153, %get3A_156 : vector<16xf32>
        %reduce_sum3A_161 = arith.constant true
        %reduce_sum3A_162 = vector.broadcast %reduce_sum3A_161 : i1 to vector<16xi1>
        %reduce_sum3A_163 = tpu.scan <sum>, %mul3A_160 masked %reduce_sum3A_162 : vector<16xf32>, vector<16xi1> -> vector<16xf32>
        %reduce_sum3A_164 = vector.extract %reduce_sum3A_163[15] : f32 from vector<16xf32>
        %mul3A_165 = arith.constant 2.500000e-01 : f32
        %mul3A_166 = arith.mulf %reduce_sum3A_164, %mul3A_165 : f32
        %broadcast_in_dim3A_167 = vector.broadcast %mul3A_166 : f32 to vector<16xf32>
        %exp3A_168 = math.exp %broadcast_in_dim3A_167 : vector<16xf32>
        %mul3A_169 = arith.mulf %exp3A_168, %get3A_159 : vector<16xf32>
        %swap3A_170 = arith.index_cast %scan3A_102 : i32 to index
        %swap3A_171 = arith.constant 32 : index
        %swap3A_172 = tpu.vector_load %arg11[%swap3A_170, %swap3A_171] {strides = array<i32>} : memref<80x80xf32, #tpu.memory_space<vmem>>, vector<16xf32>,
        tpu.vector_store %arg11[%swap3A_170, %swap3A_171], %mul3A_169 {strides = array<i32>} : memref<80x80xf32, #tpu.memory_space<vmem>>, vector<16xf32>,
        %eq3A_173 = arith.constant 2 : i32
        %eq3A_174 = vector.broadcast %eq3A_173 : i32 to vector<16xi32>
        %eq3A_175 = arith.cmpi eq, %iota3A, %eq3A_174 : vector<16xi32>
        %select_n3A_176 = arith.select %eq3A_175, %exp3A_168, %select_n3A_150 : vector<16xi1>, vector<16xf32>
        %get3A_177 = arith.index_cast %scan3A_102 : i32 to index
        %get3A_178 = arith.constant 48 : index
        %get3A_179 = tpu.vector_load %arg9[%get3A_177, %get3A_178] {strides = array<i32>} : memref<80x64xf32, #tpu.memory_space<vmem>>, vector<16xf32>,
        %get3A_180 = arith.index_cast %scan3A_102 : i32 to index
        %get3A_181 = arith.constant 48 : index
        %get3A_182 = tpu.vector_load %arg10[%get3A_180, %get3A_181] {strides = array<i32>} : memref<80x128xf32, #tpu.memory_space<vmem>>, vector<16xf32>,
        %get3A_183 = arith.index_cast %scan3A_102 : i32 to index
        %get3A_184 = arith.constant 112 : index
        %get3A_185 = tpu.vector_load %arg10[%get3A_183, %get3A_184] {strides = array<i32>} : memref<80x128xf32, #tpu.memory_space<vmem>>, vector<16xf32>,
        %mul3A_186 = arith.mulf %get3A_179, %get3A_182 : vector<16xf32>
        %reduce_sum3A_187 = arith.constant true
        %reduce_sum3A_188 = vector.broadcast %reduce_sum3A_187 : i1 to vector<16xi1>
        %reduce_sum3A_189 = tpu.scan <sum>, %mul3A_186 masked %reduce_sum3A_188 : vector<16xf32>, vector<16xi1> -> vector<16xf32>
        %reduce_sum3A_190 = vector.extract %reduce_sum3A_189[15] : f32 from vector<16xf32>
        %mul3A_191 = arith.constant 2.500000e-01 : f32
        %mul3A_192 = arith.mulf %reduce_sum3A_190, %mul3A_191 : f32
        %broadcast_in_dim3A_193 = vector.broadcast %mul3A_192 : f32 to vector<16xf32>
        %exp3A_194 = math.exp %broadcast_in_dim3A_193 : vector<16xf32>
        %mul3A_195 = arith.mulf %exp3A_194, %get3A_185 : vector<16xf32>
        %swap3A_196 = arith.index_cast %scan3A_102 : i32 to index
        %swap3A_197 = arith.constant 48 : index
        %swap3A_198 = tpu.vector_load %arg11[%swap3A_196, %swap3A_197] {strides = array<i32>} : memref<80x80xf32, #tpu.memory_space<vmem>>, vector<16xf32>,
        tpu.vector_store %arg11[%swap3A_196, %swap3A_197], %mul3A_195 {strides = array<i32>} : memref<80x80xf32, #tpu.memory_space<vmem>>, vector<16xf32>,
        %eq3A_199 = arith.constant 3 : i32
        %eq3A_200 = vector.broadcast %eq3A_199 : i32 to vector<16xi32>
        %eq3A_201 = arith.cmpi eq, %iota3A, %eq3A_200 : vector<16xi32>
        %select_n3A_202 = arith.select %eq3A_201, %exp3A_194, %select_n3A_176 : vector<16xi1>, vector<16xf32>
        %swap3A_203 = arith.index_cast %scan3A_102 : i32 to index
        %swap3A_204 = arith.constant 64 : index
        %swap3A_205 = tpu.vector_load %arg11[%swap3A_203, %swap3A_204] {strides = array<i32>} : memref<80x80xf32, #tpu.memory_space<vmem>>, vector<16xf32>,
        tpu.vector_store %arg11[%swap3A_203, %swap3A_204], %select_n3A_202 {strides = array<i32>} : memref<80x80xf32, #tpu.memory_space<vmem>>, vector<16xf32>,
      }
      %scan3A_101 = arith.constant 80 : i32
      "tpu.region"() ({
        %run_scoped3A = tpu.sem_alloc : memref<!tpu.dma_semaphore, #tpu.memory_space<semaphore_mem>>
        %dma_start3A_102 = arith.constant 0 : i32
        %dma_start3A_103 = arith.constant 0 : i32
        %dma_start3A_104 = tpu.memref_slice %arg14[%dma_start3A_102, %dma_start3A_103] : memref<10000x80xf32, #tpu.memory_space<vmem_shared>> -> memref<10000x80xf32, #tpu.memory_space<vmem_shared>>
        tpu.enqueue_indirect_dma source(%arg11 : memref<80x80xf32, #tpu.memory_space<vmem>>) target(%dma_start3A_104 : memref<10000x80xf32, #tpu.memory_space<vmem_shared>>) offsets(%arg8 : memref<80xi32, #tpu.memory_space<vmem>>) semaphore(%run_scoped3A : memref<!tpu.dma_semaphore, #tpu.memory_space<semaphore_mem>>) {add = true}
        %dma_wait3A_105 = arith.constant 0 : i32
        %dma_wait3A_106 = arith.constant 0 : i32
        %dma_wait3A_107 = tpu.memref_slice %arg14[%dma_wait3A_105, %dma_wait3A_106] : memref<10000x80xf32, #tpu.memory_space<vmem_shared>> -> memref<10000x80xf32, #tpu.memory_space<vmem_shared>>
        tpu.wait_indirect_dma semaphore(%run_scoped3A : memref<!tpu.dma_semaphore, #tpu.memory_space<semaphore_mem>>) src(%arg11 : memref<80x80xf32, #tpu.memory_space<vmem>>) dst(%dma_wait3A_107 : memref<10000x80xf32, #tpu.memory_space<vmem_shared>>)
        tpu.yield
      }) : () -> ()
    }
    %scan3A_35 = arith.constant 250 : i32
    %barrier3A_36 = arith.constant 0 : index
    tpu.barrier barrier_id(%barrier3A_36)
    %add3A_37 = arith.constant 0 : i32
    %add3A_38 = arith.addi %add3A_37, %arg1 : i32
    %lt3A_39 = arith.constant 50 : i32
    %lt3A_40 = arith.cmpi slt, %add3A_38, %lt3A_39 : i32
    %convert_element_type3A_41 = arith.extui %lt3A_40 : i1 to i32
    %cond3A_42 = arith.constant 0 : i32
    %cond3A_43 = arith.cmpi ne, %convert_element_type3A_41, %cond3A_42 : i32
    scf.if %cond3A_43 {
      %mul3A = arith.constant 200 : i32
      %mul3A_65 = arith.muli %add3A_38, %mul3A : i32
      %multiple_of3A = tpu.assume_multiple %mul3A_65, 8 : i32
      "tpu.region"() ({
        %run_scoped3A = tpu.sem_alloc : memref<!tpu.dma_semaphore, #tpu.memory_space<semaphore_mem>>
        %dma_start3A = arith.constant 0 : i32
        %dma_start3A_72 = tpu.memref_slice %arg14[%multiple_of3A, %dma_start3A] : memref<10000x80xf32, #tpu.memory_space<vmem_shared>> -> memref<200x80xf32, #tpu.memory_space<vmem_shared>>
        %dma_start3A_73 = arith.constant 0 : i32
        %dma_start3A_74 = tpu.memref_slice %arg14[%multiple_of3A, %dma_start3A_73] : memref<10000x80xf32, #tpu.memory_space<vmem_shared>> -> memref<200x80xf32, #tpu.memory_space<vmem_shared>>
        tpu.enqueue_dma source(%dma_start3A_74 : memref<200x80xf32, #tpu.memory_space<vmem_shared>>) target(%arg12 : memref<200x80xf32, #tpu.memory_space<vmem>>) target_semaphore(%run_scoped3A : memref<!tpu.dma_semaphore, #tpu.memory_space<semaphore_mem>>)
        %dma_wait3A = arith.constant 0 : i32
        %dma_wait3A_75 = tpu.memref_slice %arg14[%multiple_of3A, %dma_wait3A] : memref<10000x80xf32, #tpu.memory_space<vmem_shared>> -> memref<200x80xf32, #tpu.memory_space<vmem_shared>>
        %dma_wait3A_76 = arith.constant 0 : i32
        %dma_wait3A_77 = tpu.memref_slice %arg14[%multiple_of3A, %dma_wait3A_76] : memref<10000x80xf32, #tpu.memory_space<vmem_shared>> -> memref<200x80xf32, #tpu.memory_space<vmem_shared>>
        tpu.wait_dma2 semaphore(%run_scoped3A : memref<!tpu.dma_semaphore, #tpu.memory_space<semaphore_mem>>) src(%dma_wait3A_77 : memref<200x80xf32, #tpu.memory_space<vmem_shared>>) dst(%arg12 : memref<200x80xf32, #tpu.memory_space<vmem>>)
        tpu.yield
      }) : () -> ()
      %scan3A_66 = arith.constant 0 : i32
      %scan3A_67 = arith.constant 0 : i32
      %scan3A_68 = arith.constant 200 : i32
      %scan3A_69 = arith.addi %scan3A_67, %scan3A_68 : i32
      %scan3A_70 = arith.constant 1 : i32
      scf.for %scan3A_72 = %scan3A_67 to %scan3A_69 step %scan3A_70  : i32 {
        %get3A = arith.index_cast %scan3A_72 : i32 to index
        %get3A_73 = arith.constant 64 : index
        %get3A_74 = tpu.vector_load %arg12[%get3A, %get3A_73] {strides = array<i32>} : memref<200x80xf32, #tpu.memory_space<vmem>>, vector<16xf32>,
        %slice3A = vector.extract_strided_slice %get3A_74 {offsets = [0], sizes = [1], strides = [1]} : vector<16xf32> to vector<1xf32>
        %squeeze3A = vector.extract %slice3A[0] : f32 from vector<1xf32>
        %add3A_75 = arith.constant 1.000000e-16 : f32
        %add3A_76 = arith.addf %squeeze3A, %add3A_75 : f32
        %broadcast_in_dim3A_77 = vector.broadcast %add3A_76 : f32 to vector<16xf32>
        %get3A_78 = arith.index_cast %scan3A_72 : i32 to index
        %get3A_79 = arith.constant 0 : index
        %get3A_80 = tpu.vector_load %arg12[%get3A_78, %get3A_79] {strides = array<i32>} : memref<200x80xf32, #tpu.memory_space<vmem>>, vector<16xf32>,
        %div3A = arith.divf %get3A_80, %broadcast_in_dim3A_77 : vector<16xf32>
        %swap3A = arith.index_cast %scan3A_72 : i32 to index
        %swap3A_81 = arith.constant 0 : index
        %swap3A_82 = tpu.vector_load %arg13[%swap3A, %swap3A_81] {strides = array<i32>} : memref<200x64xf32, #tpu.memory_space<vmem>>, vector<16xf32>,
        tpu.vector_store %arg13[%swap3A, %swap3A_81], %div3A {strides = array<i32>} : memref<200x64xf32, #tpu.memory_space<vmem>>, vector<16xf32>,
        %slice3A_83 = vector.extract_strided_slice %get3A_74 {offsets = [1], sizes = [1], strides = [1]} : vector<16xf32> to vector<1xf32>
        %squeeze3A_84 = vector.extract %slice3A_83[0] : f32 from vector<1xf32>
        %add3A_85 = arith.constant 1.000000e-16 : f32
        %add3A_86 = arith.addf %squeeze3A_84, %add3A_85 : f32
        %broadcast_in_dim3A_87 = vector.broadcast %add3A_86 : f32 to vector<16xf32>
        %get3A_88 = arith.index_cast %scan3A_72 : i32 to index
        %get3A_89 = arith.constant 16 : index
        %get3A_90 = tpu.vector_load %arg12[%get3A_88, %get3A_89] {strides = array<i32>} : memref<200x80xf32, #tpu.memory_space<vmem>>, vector<16xf32>,
        %div3A_91 = arith.divf %get3A_90, %broadcast_in_dim3A_87 : vector<16xf32>
        %swap3A_92 = arith.index_cast %scan3A_72 : i32 to index
        %swap3A_93 = arith.constant 16 : index
        %swap3A_94 = tpu.vector_load %arg13[%swap3A_92, %swap3A_93] {strides = array<i32>} : memref<200x64xf32, #tpu.memory_space<vmem>>, vector<16xf32>,
        tpu.vector_store %arg13[%swap3A_92, %swap3A_93], %div3A_91 {strides = array<i32>} : memref<200x64xf32, #tpu.memory_space<vmem>>, vector<16xf32>,
        %slice3A_95 = vector.extract_strided_slice %get3A_74 {offsets = [2], sizes = [1], strides = [1]} : vector<16xf32> to vector<1xf32>
        %squeeze3A_96 = vector.extract %slice3A_95[0] : f32 from vector<1xf32>
        %add3A_97 = arith.constant 1.000000e-16 : f32
        %add3A_98 = arith.addf %squeeze3A_96, %add3A_97 : f32
        %broadcast_in_dim3A_99 = vector.broadcast %add3A_98 : f32 to vector<16xf32>
        %get3A_100 = arith.index_cast %scan3A_72 : i32 to index
        %get3A_101 = arith.constant 32 : index
        %get3A_102 = tpu.vector_load %arg12[%get3A_100, %get3A_101] {strides = array<i32>} : memref<200x80xf32, #tpu.memory_space<vmem>>, vector<16xf32>,
        %div3A_103 = arith.divf %get3A_102, %broadcast_in_dim3A_99 : vector<16xf32>
        %swap3A_104 = arith.index_cast %scan3A_72 : i32 to index
        %swap3A_105 = arith.constant 32 : index
        %swap3A_106 = tpu.vector_load %arg13[%swap3A_104, %swap3A_105] {strides = array<i32>} : memref<200x64xf32, #tpu.memory_space<vmem>>, vector<16xf32>,
        tpu.vector_store %arg13[%swap3A_104, %swap3A_105], %div3A_103 {strides = array<i32>} : memref<200x64xf32, #tpu.memory_space<vmem>>, vector<16xf32>,
        %slice3A_107 = vector.extract_strided_slice %get3A_74 {offsets = [3], sizes = [1], strides = [1]} : vector<16xf32> to vector<1xf32>
        %squeeze3A_108 = vector.extract %slice3A_107[0] : f32 from vector<1xf32>
        %add3A_109 = arith.constant 1.000000e-16 : f32
        %add3A_110 = arith.addf %squeeze3A_108, %add3A_109 : f32
        %broadcast_in_dim3A_111 = vector.broadcast %add3A_110 : f32 to vector<16xf32>
        %get3A_112 = arith.index_cast %scan3A_72 : i32 to index
        %get3A_113 = arith.constant 48 : index
        %get3A_114 = tpu.vector_load %arg12[%get3A_112, %get3A_113] {strides = array<i32>} : memref<200x80xf32, #tpu.memory_space<vmem>>, vector<16xf32>,
        %div3A_115 = arith.divf %get3A_114, %broadcast_in_dim3A_111 : vector<16xf32>
        %swap3A_116 = arith.index_cast %scan3A_72 : i32 to index
        %swap3A_117 = arith.constant 48 : index
        %swap3A_118 = tpu.vector_load %arg13[%swap3A_116, %swap3A_117] {strides = array<i32>} : memref<200x64xf32, #tpu.memory_space<vmem>>, vector<16xf32>,
        tpu.vector_store %arg13[%swap3A_116, %swap3A_117], %div3A_115 {strides = array<i32>} : memref<200x64xf32, #tpu.memory_space<vmem>>, vector<16xf32>,
      }
      %scan3A_71 = arith.constant 200 : i32
      "tpu.region"() ({
        %run_scoped3A = tpu.sem_alloc : memref<!tpu.dma_semaphore, #tpu.memory_space<semaphore_mem>>
        %dma_start3A = arith.constant 0 : i32
        %dma_start3A_72 = arith.constant 0 : i32
        %dma_start3A_73 = tpu.memref_slice %arg6[%arg0, %dma_start3A, %dma_start3A_72] : memref<2x10000x64xf32, #tpu.memory_space<hbm>> -> memref<1x10000x64xf32, #tpu.memory_space<hbm>>
        %dma_start3A_74 = tpu.memref_squeeze %dma_start3A_73 : memref<1x10000x64xf32, #tpu.memory_space<hbm>> -> memref<10000x64xf32, #tpu.memory_space<hbm>>
        %dma_start3A_75 = arith.constant 0 : i32
        %dma_start3A_76 = tpu.memref_slice %dma_start3A_74[%multiple_of3A, %dma_start3A_75] : memref<10000x64xf32, #tpu.memory_space<hbm>> -> memref<200x64xf32, #tpu.memory_space<hbm>>
        %dma_start3A_77 = arith.constant 0 : i32
        %dma_start3A_78 = arith.constant 0 : i32
        %dma_start3A_79 = tpu.memref_slice %arg6[%arg0, %dma_start3A_77, %dma_start3A_78] : memref<2x10000x64xf32, #tpu.memory_space<hbm>> -> memref<1x10000x64xf32, #tpu.memory_space<hbm>>
        %dma_start3A_80 = tpu.memref_squeeze %dma_start3A_79 : memref<1x10000x64xf32, #tpu.memory_space<hbm>> -> memref<10000x64xf32, #tpu.memory_space<hbm>>
        %dma_start3A_81 = arith.constant 0 : i32
        %dma_start3A_82 = tpu.memref_slice %dma_start3A_80[%multiple_of3A, %dma_start3A_81] : memref<10000x64xf32, #tpu.memory_space<hbm>> -> memref<200x64xf32, #tpu.memory_space<hbm>>
        tpu.enqueue_dma source(%arg13 : memref<200x64xf32, #tpu.memory_space<vmem>>) target(%dma_start3A_82 : memref<200x64xf32, #tpu.memory_space<hbm>>) target_semaphore(%run_scoped3A : memref<!tpu.dma_semaphore, #tpu.memory_space<semaphore_mem>>)
        %dma_wait3A = arith.constant 0 : i32
        %dma_wait3A_83 = arith.constant 0 : i32
        %dma_wait3A_84 = tpu.memref_slice %arg6[%arg0, %dma_wait3A, %dma_wait3A_83] : memref<2x10000x64xf32, #tpu.memory_space<hbm>> -> memref<1x10000x64xf32, #tpu.memory_space<hbm>>
        %dma_wait3A_85 = tpu.memref_squeeze %dma_wait3A_84 : memref<1x10000x64xf32, #tpu.memory_space<hbm>> -> memref<10000x64xf32, #tpu.memory_space<hbm>>
        %dma_wait3A_86 = arith.constant 0 : i32
        %dma_wait3A_87 = tpu.memref_slice %dma_wait3A_85[%multiple_of3A, %dma_wait3A_86] : memref<10000x64xf32, #tpu.memory_space<hbm>> -> memref<200x64xf32, #tpu.memory_space<hbm>>
        %dma_wait3A_88 = arith.constant 0 : i32
        %dma_wait3A_89 = arith.constant 0 : i32
        %dma_wait3A_90 = tpu.memref_slice %arg6[%arg0, %dma_wait3A_88, %dma_wait3A_89] : memref<2x10000x64xf32, #tpu.memory_space<hbm>> -> memref<1x10000x64xf32, #tpu.memory_space<hbm>>
        %dma_wait3A_91 = tpu.memref_squeeze %dma_wait3A_90 : memref<1x10000x64xf32, #tpu.memory_space<hbm>> -> memref<10000x64xf32, #tpu.memory_space<hbm>>
        %dma_wait3A_92 = arith.constant 0 : i32
        %dma_wait3A_93 = tpu.memref_slice %dma_wait3A_91[%multiple_of3A, %dma_wait3A_92] : memref<10000x64xf32, #tpu.memory_space<hbm>> -> memref<200x64xf32, #tpu.memory_space<hbm>>
        tpu.wait_dma2 semaphore(%run_scoped3A : memref<!tpu.dma_semaphore, #tpu.memory_space<semaphore_mem>>) src(%arg13 : memref<200x64xf32, #tpu.memory_space<vmem>>) dst(%dma_wait3A_93 : memref<200x64xf32, #tpu.memory_space<hbm>>)
        tpu.yield
      }) : () -> ()
    } else {
    }
    %add3A_44 = arith.constant 16 : i32
    %add3A_45 = arith.addi %add3A_44, %arg1 : i32
    %lt3A_46 = arith.constant 50 : i32
    %lt3A_47 = arith.cmpi slt, %add3A_45, %lt3A_46 : i32
    %convert_element_type3A_48 = arith.extui %lt3A_47 : i1 to i32
    %cond3A_49 = arith.constant 0 : i32
    %cond3A_50 = arith.cmpi ne, %convert_element_type3A_48, %cond3A_49 : i32
    scf.if %cond3A_50 {
      %mul3A = arith.constant 200 : i32
      %mul3A_65 = arith.muli %add3A_45, %mul3A : i32
      %multiple_of3A = tpu.assume_multiple %mul3A_65, 8 : i32
      "tpu.region"() ({
        %run_scoped3A = tpu.sem_alloc : memref<!tpu.dma_semaphore, #tpu.memory_space<semaphore_mem>>
        %dma_start3A = arith.constant 0 : i32
        %dma_start3A_72 = tpu.memref_slice %arg14[%multiple_of3A, %dma_start3A] : memref<10000x80xf32, #tpu.memory_space<vmem_shared>> -> memref<200x80xf32, #tpu.memory_space<vmem_shared>>
        %dma_start3A_73 = arith.constant 0 : i32
        %dma_start3A_74 = tpu.memref_slice %arg14[%multiple_of3A, %dma_start3A_73] : memref<10000x80xf32, #tpu.memory_space<vmem_shared>> -> memref<200x80xf32, #tpu.memory_space<vmem_shared>>
        tpu.enqueue_dma source(%dma_start3A_74 : memref<200x80xf32, #tpu.memory_space<vmem_shared>>) target(%arg12 : memref<200x80xf32, #tpu.memory_space<vmem>>) target_semaphore(%run_scoped3A : memref<!tpu.dma_semaphore, #tpu.memory_space<semaphore_mem>>)
        %dma_wait3A = arith.constant 0 : i32
        %dma_wait3A_75 = tpu.memref_slice %arg14[%multiple_of3A, %dma_wait3A] : memref<10000x80xf32, #tpu.memory_space<vmem_shared>> -> memref<200x80xf32, #tpu.memory_space<vmem_shared>>
        %dma_wait3A_76 = arith.constant 0 : i32
        %dma_wait3A_77 = tpu.memref_slice %arg14[%multiple_of3A, %dma_wait3A_76] : memref<10000x80xf32, #tpu.memory_space<vmem_shared>> -> memref<200x80xf32, #tpu.memory_space<vmem_shared>>
        tpu.wait_dma2 semaphore(%run_scoped3A : memref<!tpu.dma_semaphore, #tpu.memory_space<semaphore_mem>>) src(%dma_wait3A_77 : memref<200x80xf32, #tpu.memory_space<vmem_shared>>) dst(%arg12 : memref<200x80xf32, #tpu.memory_space<vmem>>)
        tpu.yield
      }) : () -> ()
      %scan3A_66 = arith.constant 0 : i32
      %scan3A_67 = arith.constant 0 : i32
      %scan3A_68 = arith.constant 200 : i32
      %scan3A_69 = arith.addi %scan3A_67, %scan3A_68 : i32
      %scan3A_70 = arith.constant 1 : i32
      scf.for %scan3A_72 = %scan3A_67 to %scan3A_69 step %scan3A_70  : i32 {
        %get3A = arith.index_cast %scan3A_72 : i32 to index
        %get3A_73 = arith.constant 64 : index
        %get3A_74 = tpu.vector_load %arg12[%get3A, %get3A_73] {strides = array<i32>} : memref<200x80xf32, #tpu.memory_space<vmem>>, vector<16xf32>,
        %slice3A = vector.extract_strided_slice %get3A_74 {offsets = [0], sizes = [1], strides = [1]} : vector<16xf32> to vector<1xf32>
        %squeeze3A = vector.extract %slice3A[0] : f32 from vector<1xf32>
        %add3A_75 = arith.constant 1.000000e-16 : f32
        %add3A_76 = arith.addf %squeeze3A, %add3A_75 : f32
        %broadcast_in_dim3A_77 = vector.broadcast %add3A_76 : f32 to vector<16xf32>
        %get3A_78 = arith.index_cast %scan3A_72 : i32 to index
        %get3A_79 = arith.constant 0 : index
        %get3A_80 = tpu.vector_load %arg12[%get3A_78, %get3A_79] {strides = array<i32>} : memref<200x80xf32, #tpu.memory_space<vmem>>, vector<16xf32>,
        %div3A = arith.divf %get3A_80, %broadcast_in_dim3A_77 : vector<16xf32>
        %swap3A = arith.index_cast %scan3A_72 : i32 to index
        %swap3A_81 = arith.constant 0 : index
        %swap3A_82 = tpu.vector_load %arg13[%swap3A, %swap3A_81] {strides = array<i32>} : memref<200x64xf32, #tpu.memory_space<vmem>>, vector<16xf32>,
        tpu.vector_store %arg13[%swap3A, %swap3A_81], %div3A {strides = array<i32>} : memref<200x64xf32, #tpu.memory_space<vmem>>, vector<16xf32>,
        %slice3A_83 = vector.extract_strided_slice %get3A_74 {offsets = [1], sizes = [1], strides = [1]} : vector<16xf32> to vector<1xf32>
        %squeeze3A_84 = vector.extract %slice3A_83[0] : f32 from vector<1xf32>
        %add3A_85 = arith.constant 1.000000e-16 : f32
        %add3A_86 = arith.addf %squeeze3A_84, %add3A_85 : f32
        %broadcast_in_dim3A_87 = vector.broadcast %add3A_86 : f32 to vector<16xf32>
        %get3A_88 = arith.index_cast %scan3A_72 : i32 to index
        %get3A_89 = arith.constant 16 : index
        %get3A_90 = tpu.vector_load %arg12[%get3A_88, %get3A_89] {strides = array<i32>} : memref<200x80xf32, #tpu.memory_space<vmem>>, vector<16xf32>,
        %div3A_91 = arith.divf %get3A_90, %broadcast_in_dim3A_87 : vector<16xf32>
        %swap3A_92 = arith.index_cast %scan3A_72 : i32 to index
        %swap3A_93 = arith.constant 16 : index
        %swap3A_94 = tpu.vector_load %arg13[%swap3A_92, %swap3A_93] {strides = array<i32>} : memref<200x64xf32, #tpu.memory_space<vmem>>, vector<16xf32>,
        tpu.vector_store %arg13[%swap3A_92, %swap3A_93], %div3A_91 {strides = array<i32>} : memref<200x64xf32, #tpu.memory_space<vmem>>, vector<16xf32>,
        %slice3A_95 = vector.extract_strided_slice %get3A_74 {offsets = [2], sizes = [1], strides = [1]} : vector<16xf32> to vector<1xf32>
        %squeeze3A_96 = vector.extract %slice3A_95[0] : f32 from vector<1xf32>
        %add3A_97 = arith.constant 1.000000e-16 : f32
        %add3A_98 = arith.addf %squeeze3A_96, %add3A_97 : f32
        %broadcast_in_dim3A_99 = vector.broadcast %add3A_98 : f32 to vector<16xf32>
        %get3A_100 = arith.index_cast %scan3A_72 : i32 to index
        %get3A_101 = arith.constant 32 : index
        %get3A_102 = tpu.vector_load %arg12[%get3A_100, %get3A_101] {strides = array<i32>} : memref<200x80xf32, #tpu.memory_space<vmem>>, vector<16xf32>,
        %div3A_103 = arith.divf %get3A_102, %broadcast_in_dim3A_99 : vector<16xf32>
        %swap3A_104 = arith.index_cast %scan3A_72 : i32 to index
        %swap3A_105 = arith.constant 32 : index
        %swap3A_106 = tpu.vector_load %arg13[%swap3A_104, %swap3A_105] {strides = array<i32>} : memref<200x64xf32, #tpu.memory_space<vmem>>, vector<16xf32>,
        tpu.vector_store %arg13[%swap3A_104, %swap3A_105], %div3A_103 {strides = array<i32>} : memref<200x64xf32, #tpu.memory_space<vmem>>, vector<16xf32>,
        %slice3A_107 = vector.extract_strided_slice %get3A_74 {offsets = [3], sizes = [1], strides = [1]} : vector<16xf32> to vector<1xf32>
        %squeeze3A_108 = vector.extract %slice3A_107[0] : f32 from vector<1xf32>
        %add3A_109 = arith.constant 1.000000e-16 : f32
        %add3A_110 = arith.addf %squeeze3A_108, %add3A_109 : f32
        %broadcast_in_dim3A_111 = vector.broadcast %add3A_110 : f32 to vector<16xf32>
        %get3A_112 = arith.index_cast %scan3A_72 : i32 to index
        %get3A_113 = arith.constant 48 : index
        %get3A_114 = tpu.vector_load %arg12[%get3A_112, %get3A_113] {strides = array<i32>} : memref<200x80xf32, #tpu.memory_space<vmem>>, vector<16xf32>,
        %div3A_115 = arith.divf %get3A_114, %broadcast_in_dim3A_111 : vector<16xf32>
        %swap3A_116 = arith.index_cast %scan3A_72 : i32 to index
        %swap3A_117 = arith.constant 48 : index
        %swap3A_118 = tpu.vector_load %arg13[%swap3A_116, %swap3A_117] {strides = array<i32>} : memref<200x64xf32, #tpu.memory_space<vmem>>, vector<16xf32>,
        tpu.vector_store %arg13[%swap3A_116, %swap3A_117], %div3A_115 {strides = array<i32>} : memref<200x64xf32, #tpu.memory_space<vmem>>, vector<16xf32>,
      }
      %scan3A_71 = arith.constant 200 : i32
      "tpu.region"() ({
        %run_scoped3A = tpu.sem_alloc : memref<!tpu.dma_semaphore, #tpu.memory_space<semaphore_mem>>
        %dma_start3A = arith.constant 0 : i32
        %dma_start3A_72 = arith.constant 0 : i32
        %dma_start3A_73 = tpu.memref_slice %arg6[%arg0, %dma_start3A, %dma_start3A_72] : memref<2x10000x64xf32, #tpu.memory_space<hbm>> -> memref<1x10000x64xf32, #tpu.memory_space<hbm>>
        %dma_start3A_74 = tpu.memref_squeeze %dma_start3A_73 : memref<1x10000x64xf32, #tpu.memory_space<hbm>> -> memref<10000x64xf32, #tpu.memory_space<hbm>>
        %dma_start3A_75 = arith.constant 0 : i32
        %dma_start3A_76 = tpu.memref_slice %dma_start3A_74[%multiple_of3A, %dma_start3A_75] : memref<10000x64xf32, #tpu.memory_space<hbm>> -> memref<200x64xf32, #tpu.memory_space<hbm>>
        %dma_start3A_77 = arith.constant 0 : i32
        %dma_start3A_78 = arith.constant 0 : i32
        %dma_start3A_79 = tpu.memref_slice %arg6[%arg0, %dma_start3A_77, %dma_start3A_78] : memref<2x10000x64xf32, #tpu.memory_space<hbm>> -> memref<1x10000x64xf32, #tpu.memory_space<hbm>>
        %dma_start3A_80 = tpu.memref_squeeze %dma_start3A_79 : memref<1x10000x64xf32, #tpu.memory_space<hbm>> -> memref<10000x64xf32, #tpu.memory_space<hbm>>
        %dma_start3A_81 = arith.constant 0 : i32
        %dma_start3A_82 = tpu.memref_slice %dma_start3A_80[%multiple_of3A, %dma_start3A_81] : memref<10000x64xf32, #tpu.memory_space<hbm>> -> memref<200x64xf32, #tpu.memory_space<hbm>>
        tpu.enqueue_dma source(%arg13 : memref<200x64xf32, #tpu.memory_space<vmem>>) target(%dma_start3A_82 : memref<200x64xf32, #tpu.memory_space<hbm>>) target_semaphore(%run_scoped3A : memref<!tpu.dma_semaphore, #tpu.memory_space<semaphore_mem>>)
        %dma_wait3A = arith.constant 0 : i32
        %dma_wait3A_83 = arith.constant 0 : i32
        %dma_wait3A_84 = tpu.memref_slice %arg6[%arg0, %dma_wait3A, %dma_wait3A_83] : memref<2x10000x64xf32, #tpu.memory_space<hbm>> -> memref<1x10000x64xf32, #tpu.memory_space<hbm>>
        %dma_wait3A_85 = tpu.memref_squeeze %dma_wait3A_84 : memref<1x10000x64xf32, #tpu.memory_space<hbm>> -> memref<10000x64xf32, #tpu.memory_space<hbm>>
        %dma_wait3A_86 = arith.constant 0 : i32
        %dma_wait3A_87 = tpu.memref_slice %dma_wait3A_85[%multiple_of3A, %dma_wait3A_86] : memref<10000x64xf32, #tpu.memory_space<hbm>> -> memref<200x64xf32, #tpu.memory_space<hbm>>
        %dma_wait3A_88 = arith.constant 0 : i32
        %dma_wait3A_89 = arith.constant 0 : i32
        %dma_wait3A_90 = tpu.memref_slice %arg6[%arg0, %dma_wait3A_88, %dma_wait3A_89] : memref<2x10000x64xf32, #tpu.memory_space<hbm>> -> memref<1x10000x64xf32, #tpu.memory_space<hbm>>
        %dma_wait3A_91 = tpu.memref_squeeze %dma_wait3A_90 : memref<1x10000x64xf32, #tpu.memory_space<hbm>> -> memref<10000x64xf32, #tpu.memory_space<hbm>>
        %dma_wait3A_92 = arith.constant 0 : i32
        %dma_wait3A_93 = tpu.memref_slice %dma_wait3A_91[%multiple_of3A, %dma_wait3A_92] : memref<10000x64xf32, #tpu.memory_space<hbm>> -> memref<200x64xf32, #tpu.memory_space<hbm>>
        tpu.wait_dma2 semaphore(%run_scoped3A : memref<!tpu.dma_semaphore, #tpu.memory_space<semaphore_mem>>) src(%arg13 : memref<200x64xf32, #tpu.memory_space<vmem>>) dst(%dma_wait3A_93 : memref<200x64xf32, #tpu.memory_space<hbm>>)
        tpu.yield
      }) : () -> ()
    } else {
    }
    %add3A_51 = arith.constant 32 : i32
    %add3A_52 = arith.addi %add3A_51, %arg1 : i32
    %lt3A_53 = arith.constant 50 : i32
    %lt3A_54 = arith.cmpi slt, %add3A_52, %lt3A_53 : i32
    %convert_element_type3A_55 = arith.extui %lt3A_54 : i1 to i32
    %cond3A_56 = arith.constant 0 : i32
    %cond3A_57 = arith.cmpi ne, %convert_element_type3A_55, %cond3A_56 : i32
    scf.if %cond3A_57 {
      %mul3A = arith.constant 200 : i32
      %mul3A_65 = arith.muli %add3A_52, %mul3A : i32
      %multiple_of3A = tpu.assume_multiple %mul3A_65, 8 : i32
      "tpu.region"() ({
        %run_scoped3A = tpu.sem_alloc : memref<!tpu.dma_semaphore, #tpu.memory_space<semaphore_mem>>
        %dma_start3A = arith.constant 0 : i32
        %dma_start3A_72 = tpu.memref_slice %arg14[%multiple_of3A, %dma_start3A] : memref<10000x80xf32, #tpu.memory_space<vmem_shared>> -> memref<200x80xf32, #tpu.memory_space<vmem_shared>>
        %dma_start3A_73 = arith.constant 0 : i32
        %dma_start3A_74 = tpu.memref_slice %arg14[%multiple_of3A, %dma_start3A_73] : memref<10000x80xf32, #tpu.memory_space<vmem_shared>> -> memref<200x80xf32, #tpu.memory_space<vmem_shared>>
        tpu.enqueue_dma source(%dma_start3A_74 : memref<200x80xf32, #tpu.memory_space<vmem_shared>>) target(%arg12 : memref<200x80xf32, #tpu.memory_space<vmem>>) target_semaphore(%run_scoped3A : memref<!tpu.dma_semaphore, #tpu.memory_space<semaphore_mem>>)
        %dma_wait3A = arith.constant 0 : i32
        %dma_wait3A_75 = tpu.memref_slice %arg14[%multiple_of3A, %dma_wait3A] : memref<10000x80xf32, #tpu.memory_space<vmem_shared>> -> memref<200x80xf32, #tpu.memory_space<vmem_shared>>
        %dma_wait3A_76 = arith.constant 0 : i32
        %dma_wait3A_77 = tpu.memref_slice %arg14[%multiple_of3A, %dma_wait3A_76] : memref<10000x80xf32, #tpu.memory_space<vmem_shared>> -> memref<200x80xf32, #tpu.memory_space<vmem_shared>>
        tpu.wait_dma2 semaphore(%run_scoped3A : memref<!tpu.dma_semaphore, #tpu.memory_space<semaphore_mem>>) src(%dma_wait3A_77 : memref<200x80xf32, #tpu.memory_space<vmem_shared>>) dst(%arg12 : memref<200x80xf32, #tpu.memory_space<vmem>>)
        tpu.yield
      }) : () -> ()
      %scan3A_66 = arith.constant 0 : i32
      %scan3A_67 = arith.constant 0 : i32
      %scan3A_68 = arith.constant 200 : i32
      %scan3A_69 = arith.addi %scan3A_67, %scan3A_68 : i32
      %scan3A_70 = arith.constant 1 : i32
      scf.for %scan3A_72 = %scan3A_67 to %scan3A_69 step %scan3A_70  : i32 {
        %get3A = arith.index_cast %scan3A_72 : i32 to index
        %get3A_73 = arith.constant 64 : index
        %get3A_74 = tpu.vector_load %arg12[%get3A, %get3A_73] {strides = array<i32>} : memref<200x80xf32, #tpu.memory_space<vmem>>, vector<16xf32>,
        %slice3A = vector.extract_strided_slice %get3A_74 {offsets = [0], sizes = [1], strides = [1]} : vector<16xf32> to vector<1xf32>
        %squeeze3A = vector.extract %slice3A[0] : f32 from vector<1xf32>
        %add3A_75 = arith.constant 1.000000e-16 : f32
        %add3A_76 = arith.addf %squeeze3A, %add3A_75 : f32
        %broadcast_in_dim3A_77 = vector.broadcast %add3A_76 : f32 to vector<16xf32>
        %get3A_78 = arith.index_cast %scan3A_72 : i32 to index
        %get3A_79 = arith.constant 0 : index
        %get3A_80 = tpu.vector_load %arg12[%get3A_78, %get3A_79] {strides = array<i32>} : memref<200x80xf32, #tpu.memory_space<vmem>>, vector<16xf32>,
        %div3A = arith.divf %get3A_80, %broadcast_in_dim3A_77 : vector<16xf32>
        %swap3A = arith.index_cast %scan3A_72 : i32 to index
        %swap3A_81 = arith.constant 0 : index
        %swap3A_82 = tpu.vector_load %arg13[%swap3A, %swap3A_81] {strides = array<i32>} : memref<200x64xf32, #tpu.memory_space<vmem>>, vector<16xf32>,
        tpu.vector_store %arg13[%swap3A, %swap3A_81], %div3A {strides = array<i32>} : memref<200x64xf32, #tpu.memory_space<vmem>>, vector<16xf32>,
        %slice3A_83 = vector.extract_strided_slice %get3A_74 {offsets = [1], sizes = [1], strides = [1]} : vector<16xf32> to vector<1xf32>
        %squeeze3A_84 = vector.extract %slice3A_83[0] : f32 from vector<1xf32>
        %add3A_85 = arith.constant 1.000000e-16 : f32
        %add3A_86 = arith.addf %squeeze3A_84, %add3A_85 : f32
        %broadcast_in_dim3A_87 = vector.broadcast %add3A_86 : f32 to vector<16xf32>
        %get3A_88 = arith.index_cast %scan3A_72 : i32 to index
        %get3A_89 = arith.constant 16 : index
        %get3A_90 = tpu.vector_load %arg12[%get3A_88, %get3A_89] {strides = array<i32>} : memref<200x80xf32, #tpu.memory_space<vmem>>, vector<16xf32>,
        %div3A_91 = arith.divf %get3A_90, %broadcast_in_dim3A_87 : vector<16xf32>
        %swap3A_92 = arith.index_cast %scan3A_72 : i32 to index
        %swap3A_93 = arith.constant 16 : index
        %swap3A_94 = tpu.vector_load %arg13[%swap3A_92, %swap3A_93] {strides = array<i32>} : memref<200x64xf32, #tpu.memory_space<vmem>>, vector<16xf32>,
        tpu.vector_store %arg13[%swap3A_92, %swap3A_93], %div3A_91 {strides = array<i32>} : memref<200x64xf32, #tpu.memory_space<vmem>>, vector<16xf32>,
        %slice3A_95 = vector.extract_strided_slice %get3A_74 {offsets = [2], sizes = [1], strides = [1]} : vector<16xf32> to vector<1xf32>
        %squeeze3A_96 = vector.extract %slice3A_95[0] : f32 from vector<1xf32>
        %add3A_97 = arith.constant 1.000000e-16 : f32
        %add3A_98 = arith.addf %squeeze3A_96, %add3A_97 : f32
        %broadcast_in_dim3A_99 = vector.broadcast %add3A_98 : f32 to vector<16xf32>
        %get3A_100 = arith.index_cast %scan3A_72 : i32 to index
        %get3A_101 = arith.constant 32 : index
        %get3A_102 = tpu.vector_load %arg12[%get3A_100, %get3A_101] {strides = array<i32>} : memref<200x80xf32, #tpu.memory_space<vmem>>, vector<16xf32>,
        %div3A_103 = arith.divf %get3A_102, %broadcast_in_dim3A_99 : vector<16xf32>
        %swap3A_104 = arith.index_cast %scan3A_72 : i32 to index
        %swap3A_105 = arith.constant 32 : index
        %swap3A_106 = tpu.vector_load %arg13[%swap3A_104, %swap3A_105] {strides = array<i32>} : memref<200x64xf32, #tpu.memory_space<vmem>>, vector<16xf32>,
        tpu.vector_store %arg13[%swap3A_104, %swap3A_105], %div3A_103 {strides = array<i32>} : memref<200x64xf32, #tpu.memory_space<vmem>>, vector<16xf32>,
        %slice3A_107 = vector.extract_strided_slice %get3A_74 {offsets = [3], sizes = [1], strides = [1]} : vector<16xf32> to vector<1xf32>
        %squeeze3A_108 = vector.extract %slice3A_107[0] : f32 from vector<1xf32>
        %add3A_109 = arith.constant 1.000000e-16 : f32
        %add3A_110 = arith.addf %squeeze3A_108, %add3A_109 : f32
        %broadcast_in_dim3A_111 = vector.broadcast %add3A_110 : f32 to vector<16xf32>
        %get3A_112 = arith.index_cast %scan3A_72 : i32 to index
        %get3A_113 = arith.constant 48 : index
        %get3A_114 = tpu.vector_load %arg12[%get3A_112, %get3A_113] {strides = array<i32>} : memref<200x80xf32, #tpu.memory_space<vmem>>, vector<16xf32>,
        %div3A_115 = arith.divf %get3A_114, %broadcast_in_dim3A_111 : vector<16xf32>
        %swap3A_116 = arith.index_cast %scan3A_72 : i32 to index
        %swap3A_117 = arith.constant 48 : index
        %swap3A_118 = tpu.vector_load %arg13[%swap3A_116, %swap3A_117] {strides = array<i32>} : memref<200x64xf32, #tpu.memory_space<vmem>>, vector<16xf32>,
        tpu.vector_store %arg13[%swap3A_116, %swap3A_117], %div3A_115 {strides = array<i32>} : memref<200x64xf32, #tpu.memory_space<vmem>>, vector<16xf32>,
      }
      %scan3A_71 = arith.constant 200 : i32
      "tpu.region"() ({
        %run_scoped3A = tpu.sem_alloc : memref<!tpu.dma_semaphore, #tpu.memory_space<semaphore_mem>>
        %dma_start3A = arith.constant 0 : i32
        %dma_start3A_72 = arith.constant 0 : i32
        %dma_start3A_73 = tpu.memref_slice %arg6[%arg0, %dma_start3A, %dma_start3A_72] : memref<2x10000x64xf32, #tpu.memory_space<hbm>> -> memref<1x10000x64xf32, #tpu.memory_space<hbm>>
        %dma_start3A_74 = tpu.memref_squeeze %dma_start3A_73 : memref<1x10000x64xf32, #tpu.memory_space<hbm>> -> memref<10000x64xf32, #tpu.memory_space<hbm>>
        %dma_start3A_75 = arith.constant 0 : i32
        %dma_start3A_76 = tpu.memref_slice %dma_start3A_74[%multiple_of3A, %dma_start3A_75] : memref<10000x64xf32, #tpu.memory_space<hbm>> -> memref<200x64xf32, #tpu.memory_space<hbm>>
        %dma_start3A_77 = arith.constant 0 : i32
        %dma_start3A_78 = arith.constant 0 : i32
        %dma_start3A_79 = tpu.memref_slice %arg6[%arg0, %dma_start3A_77, %dma_start3A_78] : memref<2x10000x64xf32, #tpu.memory_space<hbm>> -> memref<1x10000x64xf32, #tpu.memory_space<hbm>>
        %dma_start3A_80 = tpu.memref_squeeze %dma_start3A_79 : memref<1x10000x64xf32, #tpu.memory_space<hbm>> -> memref<10000x64xf32, #tpu.memory_space<hbm>>
        %dma_start3A_81 = arith.constant 0 : i32
        %dma_start3A_82 = tpu.memref_slice %dma_start3A_80[%multiple_of3A, %dma_start3A_81] : memref<10000x64xf32, #tpu.memory_space<hbm>> -> memref<200x64xf32, #tpu.memory_space<hbm>>
        tpu.enqueue_dma source(%arg13 : memref<200x64xf32, #tpu.memory_space<vmem>>) target(%dma_start3A_82 : memref<200x64xf32, #tpu.memory_space<hbm>>) target_semaphore(%run_scoped3A : memref<!tpu.dma_semaphore, #tpu.memory_space<semaphore_mem>>)
        %dma_wait3A = arith.constant 0 : i32
        %dma_wait3A_83 = arith.constant 0 : i32
        %dma_wait3A_84 = tpu.memref_slice %arg6[%arg0, %dma_wait3A, %dma_wait3A_83] : memref<2x10000x64xf32, #tpu.memory_space<hbm>> -> memref<1x10000x64xf32, #tpu.memory_space<hbm>>
        %dma_wait3A_85 = tpu.memref_squeeze %dma_wait3A_84 : memref<1x10000x64xf32, #tpu.memory_space<hbm>> -> memref<10000x64xf32, #tpu.memory_space<hbm>>
        %dma_wait3A_86 = arith.constant 0 : i32
        %dma_wait3A_87 = tpu.memref_slice %dma_wait3A_85[%multiple_of3A, %dma_wait3A_86] : memref<10000x64xf32, #tpu.memory_space<hbm>> -> memref<200x64xf32, #tpu.memory_space<hbm>>
        %dma_wait3A_88 = arith.constant 0 : i32
        %dma_wait3A_89 = arith.constant 0 : i32
        %dma_wait3A_90 = tpu.memref_slice %arg6[%arg0, %dma_wait3A_88, %dma_wait3A_89] : memref<2x10000x64xf32, #tpu.memory_space<hbm>> -> memref<1x10000x64xf32, #tpu.memory_space<hbm>>
        %dma_wait3A_91 = tpu.memref_squeeze %dma_wait3A_90 : memref<1x10000x64xf32, #tpu.memory_space<hbm>> -> memref<10000x64xf32, #tpu.memory_space<hbm>>
        %dma_wait3A_92 = arith.constant 0 : i32
        %dma_wait3A_93 = tpu.memref_slice %dma_wait3A_91[%multiple_of3A, %dma_wait3A_92] : memref<10000x64xf32, #tpu.memory_space<hbm>> -> memref<200x64xf32, #tpu.memory_space<hbm>>
        tpu.wait_dma2 semaphore(%run_scoped3A : memref<!tpu.dma_semaphore, #tpu.memory_space<semaphore_mem>>) src(%arg13 : memref<200x64xf32, #tpu.memory_space<vmem>>) dst(%dma_wait3A_93 : memref<200x64xf32, #tpu.memory_space<hbm>>)
        tpu.yield
      }) : () -> ()
    } else {
    }
    %add3A_58 = arith.constant 48 : i32
    %add3A_59 = arith.addi %add3A_58, %arg1 : i32
    %lt3A_60 = arith.constant 50 : i32
    %lt3A_61 = arith.cmpi slt, %add3A_59, %lt3A_60 : i32
    %convert_element_type3A_62 = arith.extui %lt3A_61 : i1 to i32
    %cond3A_63 = arith.constant 0 : i32
    %cond3A_64 = arith.cmpi ne, %convert_element_type3A_62, %cond3A_63 : i32
    scf.if %cond3A_64 {
      %mul3A = arith.constant 200 : i32
      %mul3A_65 = arith.muli %add3A_59, %mul3A : i32
      %multiple_of3A = tpu.assume_multiple %mul3A_65, 8 : i32
      "tpu.region"() ({
        %run_scoped3A = tpu.sem_alloc : memref<!tpu.dma_semaphore, #tpu.memory_space<semaphore_mem>>
        %dma_start3A = arith.constant 0 : i32
        %dma_start3A_72 = tpu.memref_slice %arg14[%multiple_of3A, %dma_start3A] : memref<10000x80xf32, #tpu.memory_space<vmem_shared>> -> memref<200x80xf32, #tpu.memory_space<vmem_shared>>
        %dma_start3A_73 = arith.constant 0 : i32
        %dma_start3A_74 = tpu.memref_slice %arg14[%multiple_of3A, %dma_start3A_73] : memref<10000x80xf32, #tpu.memory_space<vmem_shared>> -> memref<200x80xf32, #tpu.memory_space<vmem_shared>>
        tpu.enqueue_dma source(%dma_start3A_74 : memref<200x80xf32, #tpu.memory_space<vmem_shared>>) target(%arg12 : memref<200x80xf32, #tpu.memory_space<vmem>>) target_semaphore(%run_scoped3A : memref<!tpu.dma_semaphore, #tpu.memory_space<semaphore_mem>>)
        %dma_wait3A = arith.constant 0 : i32
        %dma_wait3A_75 = tpu.memref_slice %arg14[%multiple_of3A, %dma_wait3A] : memref<10000x80xf32, #tpu.memory_space<vmem_shared>> -> memref<200x80xf32, #tpu.memory_space<vmem_shared>>
        %dma_wait3A_76 = arith.constant 0 : i32
        %dma_wait3A_77 = tpu.memref_slice %arg14[%multiple_of3A, %dma_wait3A_76] : memref<10000x80xf32, #tpu.memory_space<vmem_shared>> -> memref<200x80xf32, #tpu.memory_space<vmem_shared>>
        tpu.wait_dma2 semaphore(%run_scoped3A : memref<!tpu.dma_semaphore, #tpu.memory_space<semaphore_mem>>) src(%dma_wait3A_77 : memref<200x80xf32, #tpu.memory_space<vmem_shared>>) dst(%arg12 : memref<200x80xf32, #tpu.memory_space<vmem>>)
        tpu.yield
      }) : () -> ()
      %scan3A_66 = arith.constant 0 : i32
      %scan3A_67 = arith.constant 0 : i32
      %scan3A_68 = arith.constant 200 : i32
      %scan3A_69 = arith.addi %scan3A_67, %scan3A_68 : i32
      %scan3A_70 = arith.constant 1 : i32
      scf.for %scan3A_72 = %scan3A_67 to %scan3A_69 step %scan3A_70  : i32 {
        %get3A = arith.index_cast %scan3A_72 : i32 to index
        %get3A_73 = arith.constant 64 : index
        %get3A_74 = tpu.vector_load %arg12[%get3A, %get3A_73] {strides = array<i32>} : memref<200x80xf32, #tpu.memory_space<vmem>>, vector<16xf32>,
        %slice3A = vector.extract_strided_slice %get3A_74 {offsets = [0], sizes = [1], strides = [1]} : vector<16xf32> to vector<1xf32>
        %squeeze3A = vector.extract %slice3A[0] : f32 from vector<1xf32>
        %add3A_75 = arith.constant 1.000000e-16 : f32
        %add3A_76 = arith.addf %squeeze3A, %add3A_75 : f32
        %broadcast_in_dim3A_77 = vector.broadcast %add3A_76 : f32 to vector<16xf32>
        %get3A_78 = arith.index_cast %scan3A_72 : i32 to index
        %get3A_79 = arith.constant 0 : index
        %get3A_80 = tpu.vector_load %arg12[%get3A_78, %get3A_79] {strides = array<i32>} : memref<200x80xf32, #tpu.memory_space<vmem>>, vector<16xf32>,
        %div3A = arith.divf %get3A_80, %broadcast_in_dim3A_77 : vector<16xf32>
        %swap3A = arith.index_cast %scan3A_72 : i32 to index
        %swap3A_81 = arith.constant 0 : index
        %swap3A_82 = tpu.vector_load %arg13[%swap3A, %swap3A_81] {strides = array<i32>} : memref<200x64xf32, #tpu.memory_space<vmem>>, vector<16xf32>,
        tpu.vector_store %arg13[%swap3A, %swap3A_81], %div3A {strides = array<i32>} : memref<200x64xf32, #tpu.memory_space<vmem>>, vector<16xf32>,
        %slice3A_83 = vector.extract_strided_slice %get3A_74 {offsets = [1], sizes = [1], strides = [1]} : vector<16xf32> to vector<1xf32>
        %squeeze3A_84 = vector.extract %slice3A_83[0] : f32 from vector<1xf32>
        %add3A_85 = arith.constant 1.000000e-16 : f32
        %add3A_86 = arith.addf %squeeze3A_84, %add3A_85 : f32
        %broadcast_in_dim3A_87 = vector.broadcast %add3A_86 : f32 to vector<16xf32>
        %get3A_88 = arith.index_cast %scan3A_72 : i32 to index
        %get3A_89 = arith.constant 16 : index
        %get3A_90 = tpu.vector_load %arg12[%get3A_88, %get3A_89] {strides = array<i32>} : memref<200x80xf32, #tpu.memory_space<vmem>>, vector<16xf32>,
        %div3A_91 = arith.divf %get3A_90, %broadcast_in_dim3A_87 : vector<16xf32>
        %swap3A_92 = arith.index_cast %scan3A_72 : i32 to index
        %swap3A_93 = arith.constant 16 : index
        %swap3A_94 = tpu.vector_load %arg13[%swap3A_92, %swap3A_93] {strides = array<i32>} : memref<200x64xf32, #tpu.memory_space<vmem>>, vector<16xf32>,
        tpu.vector_store %arg13[%swap3A_92, %swap3A_93], %div3A_91 {strides = array<i32>} : memref<200x64xf32, #tpu.memory_space<vmem>>, vector<16xf32>,
        %slice3A_95 = vector.extract_strided_slice %get3A_74 {offsets = [2], sizes = [1], strides = [1]} : vector<16xf32> to vector<1xf32>
        %squeeze3A_96 = vector.extract %slice3A_95[0] : f32 from vector<1xf32>
        %add3A_97 = arith.constant 1.000000e-16 : f32
        %add3A_98 = arith.addf %squeeze3A_96, %add3A_97 : f32
        %broadcast_in_dim3A_99 = vector.broadcast %add3A_98 : f32 to vector<16xf32>
        %get3A_100 = arith.index_cast %scan3A_72 : i32 to index
        %get3A_101 = arith.constant 32 : index
        %get3A_102 = tpu.vector_load %arg12[%get3A_100, %get3A_101] {strides = array<i32>} : memref<200x80xf32, #tpu.memory_space<vmem>>, vector<16xf32>,
        %div3A_103 = arith.divf %get3A_102, %broadcast_in_dim3A_99 : vector<16xf32>
        %swap3A_104 = arith.index_cast %scan3A_72 : i32 to index
        %swap3A_105 = arith.constant 32 : index
        %swap3A_106 = tpu.vector_load %arg13[%swap3A_104, %swap3A_105] {strides = array<i32>} : memref<200x64xf32, #tpu.memory_space<vmem>>, vector<16xf32>,
        tpu.vector_store %arg13[%swap3A_104, %swap3A_105], %div3A_103 {strides = array<i32>} : memref<200x64xf32, #tpu.memory_space<vmem>>, vector<16xf32>,
        %slice3A_107 = vector.extract_strided_slice %get3A_74 {offsets = [3], sizes = [1], strides = [1]} : vector<16xf32> to vector<1xf32>
        %squeeze3A_108 = vector.extract %slice3A_107[0] : f32 from vector<1xf32>
        %add3A_109 = arith.constant 1.000000e-16 : f32
        %add3A_110 = arith.addf %squeeze3A_108, %add3A_109 : f32
        %broadcast_in_dim3A_111 = vector.broadcast %add3A_110 : f32 to vector<16xf32>
        %get3A_112 = arith.index_cast %scan3A_72 : i32 to index
        %get3A_113 = arith.constant 48 : index
        %get3A_114 = tpu.vector_load %arg12[%get3A_112, %get3A_113] {strides = array<i32>} : memref<200x80xf32, #tpu.memory_space<vmem>>, vector<16xf32>,
        %div3A_115 = arith.divf %get3A_114, %broadcast_in_dim3A_111 : vector<16xf32>
        %swap3A_116 = arith.index_cast %scan3A_72 : i32 to index
        %swap3A_117 = arith.constant 48 : index
        %swap3A_118 = tpu.vector_load %arg13[%swap3A_116, %swap3A_117] {strides = array<i32>} : memref<200x64xf32, #tpu.memory_space<vmem>>, vector<16xf32>,
        tpu.vector_store %arg13[%swap3A_116, %swap3A_117], %div3A_115 {strides = array<i32>} : memref<200x64xf32, #tpu.memory_space<vmem>>, vector<16xf32>,
      }
      %scan3A_71 = arith.constant 200 : i32
      "tpu.region"() ({
        %run_scoped3A = tpu.sem_alloc : memref<!tpu.dma_semaphore, #tpu.memory_space<semaphore_mem>>
        %dma_start3A = arith.constant 0 : i32
        %dma_start3A_72 = arith.constant 0 : i32
        %dma_start3A_73 = tpu.memref_slice %arg6[%arg0, %dma_start3A, %dma_start3A_72] : memref<2x10000x64xf32, #tpu.memory_space<hbm>> -> memref<1x10000x64xf32, #tpu.memory_space<hbm>>
        %dma_start3A_74 = tpu.memref_squeeze %dma_start3A_73 : memref<1x10000x64xf32, #tpu.memory_space<hbm>> -> memref<10000x64xf32, #tpu.memory_space<hbm>>
        %dma_start3A_75 = arith.constant 0 : i32
        %dma_start3A_76 = tpu.memref_slice %dma_start3A_74[%multiple_of3A, %dma_start3A_75] : memref<10000x64xf32, #tpu.memory_space<hbm>> -> memref<200x64xf32, #tpu.memory_space<hbm>>
        %dma_start3A_77 = arith.constant 0 : i32
        %dma_start3A_78 = arith.constant 0 : i32
        %dma_start3A_79 = tpu.memref_slice %arg6[%arg0, %dma_start3A_77, %dma_start3A_78] : memref<2x10000x64xf32, #tpu.memory_space<hbm>> -> memref<1x10000x64xf32, #tpu.memory_space<hbm>>
        %dma_start3A_80 = tpu.memref_squeeze %dma_start3A_79 : memref<1x10000x64xf32, #tpu.memory_space<hbm>> -> memref<10000x64xf32, #tpu.memory_space<hbm>>
        %dma_start3A_81 = arith.constant 0 : i32
        %dma_start3A_82 = tpu.memref_slice %dma_start3A_80[%multiple_of3A, %dma_start3A_81] : memref<10000x64xf32, #tpu.memory_space<hbm>> -> memref<200x64xf32, #tpu.memory_space<hbm>>
        tpu.enqueue_dma source(%arg13 : memref<200x64xf32, #tpu.memory_space<vmem>>) target(%dma_start3A_82 : memref<200x64xf32, #tpu.memory_space<hbm>>) target_semaphore(%run_scoped3A : memref<!tpu.dma_semaphore, #tpu.memory_space<semaphore_mem>>)
        %dma_wait3A = arith.constant 0 : i32
        %dma_wait3A_83 = arith.constant 0 : i32
        %dma_wait3A_84 = tpu.memref_slice %arg6[%arg0, %dma_wait3A, %dma_wait3A_83] : memref<2x10000x64xf32, #tpu.memory_space<hbm>> -> memref<1x10000x64xf32, #tpu.memory_space<hbm>>
        %dma_wait3A_85 = tpu.memref_squeeze %dma_wait3A_84 : memref<1x10000x64xf32, #tpu.memory_space<hbm>> -> memref<10000x64xf32, #tpu.memory_space<hbm>>
        %dma_wait3A_86 = arith.constant 0 : i32
        %dma_wait3A_87 = tpu.memref_slice %dma_wait3A_85[%multiple_of3A, %dma_wait3A_86] : memref<10000x64xf32, #tpu.memory_space<hbm>> -> memref<200x64xf32, #tpu.memory_space<hbm>>
        %dma_wait3A_88 = arith.constant 0 : i32
        %dma_wait3A_89 = arith.constant 0 : i32
        %dma_wait3A_90 = tpu.memref_slice %arg6[%arg0, %dma_wait3A_88, %dma_wait3A_89] : memref<2x10000x64xf32, #tpu.memory_space<hbm>> -> memref<1x10000x64xf32, #tpu.memory_space<hbm>>
        %dma_wait3A_91 = tpu.memref_squeeze %dma_wait3A_90 : memref<1x10000x64xf32, #tpu.memory_space<hbm>> -> memref<10000x64xf32, #tpu.memory_space<hbm>>
        %dma_wait3A_92 = arith.constant 0 : i32
        %dma_wait3A_93 = tpu.memref_slice %dma_wait3A_91[%multiple_of3A, %dma_wait3A_92] : memref<10000x64xf32, #tpu.memory_space<hbm>> -> memref<200x64xf32, #tpu.memory_space<hbm>>
        tpu.wait_dma2 semaphore(%run_scoped3A : memref<!tpu.dma_semaphore, #tpu.memory_space<semaphore_mem>>) src(%arg13 : memref<200x64xf32, #tpu.memory_space<vmem>>) dst(%dma_wait3A_93 : memref<200x64xf32, #tpu.memory_space<hbm>>)
        tpu.yield
      }) : () -> ()
    } else {
    }
    return
  }
}

module attributes {stable_mosaic.version = 14 : i64} {
  func.func @_qkv_body(%arg0: i32, %arg1: memref<1000x128xf32, #tpu.memory_space<vmem>>, %arg2: memref<128x128xf32, #tpu.memory_space<vmem>>, %arg3: memref<1x128xf32, #tpu.memory_space<vmem>>, %arg4: memref<128x128xf32, #tpu.memory_space<vmem>>, %arg5: memref<1x128xf32, #tpu.memory_space<vmem>>, %arg6: memref<128x128xf32, #tpu.memory_space<vmem>>, %arg7: memref<1x128xf32, #tpu.memory_space<vmem>>, %arg8: memref<2x1000x64xf32, #tpu.memory_space<vmem>>, %arg9: memref<2x1000x128xf32, #tpu.memory_space<vmem>>) attributes {dimension_semantics = [#tpu.dimension_semantics<arbitrary>], iteration_bounds = array<i64: 10>, scalar_prefetch = 0 : i64, scratch_operands = 0 : i64, tpu.core_type = #tpu.core_type<tc>, window_params = [{transform_indices = @transform_0, window_bounds = array<i64: 1000, 128>}, {pipeline_mode = #tpu.pipeline_mode<synchronous>, transform_indices = @transform_1, window_bounds = array<i64: 128, 128>}, {pipeline_mode = #tpu.pipeline_mode<synchronous>, transform_indices = @transform_2, window_bounds = array<i64: 1, 128>}, {pipeline_mode = #tpu.pipeline_mode<synchronous>, transform_indices = @transform_3, window_bounds = array<i64: 128, 128>}, {pipeline_mode = #tpu.pipeline_mode<synchronous>, transform_indices = @transform_4, window_bounds = array<i64: 1, 128>}, {pipeline_mode = #tpu.pipeline_mode<synchronous>, transform_indices = @transform_5, window_bounds = array<i64: 128, 128>}, {pipeline_mode = #tpu.pipeline_mode<synchronous>, transform_indices = @transform_6, window_bounds = array<i64: 1, 128>}, {transform_indices = @transform_7, window_bounds = array<i64: 2, 1000, 64>}, {transform_indices = @transform_8, window_bounds = array<i64: 2, 1000, 128>}]} {
    %get3A = arith.constant 0 : index
    %get3A_0 = arith.constant 0 : index
    %get3A_1 = vector.load %arg1[%get3A, %get3A_0] : memref<1000x128xf32, #tpu.memory_space<vmem>>, vector<1000x128xf32>
    %get3A_2 = arith.constant 0 : index
    %get3A_3 = arith.constant 0 : index
    %get3A_4 = vector.load %arg2[%get3A_2, %get3A_3] : memref<128x128xf32, #tpu.memory_space<vmem>>, vector<128x128xf32>
    %dot_general3A = arith.constant dense<0.000000e+00> : vector<1000x128xf32>
    %dot_general3A_5 = tpu.matmul %get3A_1, %get3A_4, %dot_general3A {dimension_numbers = #tpu.dot_dimension_numbers<[1], [0], [0], [1], [0, 0, 1, 1], [], []>, transpose_lhs_hint = false} : vector<1000x128xf32>, vector<128x128xf32>, vector<1000x128xf32> -> vector<1000x128xf32>
    %get3A_6 = arith.constant 0 : index
    %get3A_7 = arith.constant 0 : index
    %get3A_8 = vector.load %arg3[%get3A_6, %get3A_7] : memref<1x128xf32, #tpu.memory_space<vmem>>, vector<1x128xf32>
    %add3A = vector.broadcast %get3A_8 : vector<1x128xf32> to vector<1000x128xf32>
    %add3A_9 = arith.addf %dot_general3A_5, %add3A : vector<1000x128xf32>
    %get3A_10 = arith.constant 0 : index
    %get3A_11 = arith.constant 0 : index
    %get3A_12 = vector.load %arg4[%get3A_10, %get3A_11] : memref<128x128xf32, #tpu.memory_space<vmem>>, vector<128x128xf32>
    %dot_general3A_13 = arith.constant dense<0.000000e+00> : vector<1000x128xf32>
    %dot_general3A_14 = tpu.matmul %get3A_1, %get3A_12, %dot_general3A_13 {dimension_numbers = #tpu.dot_dimension_numbers<[1], [0], [0], [1], [0, 0, 1, 1], [], []>, transpose_lhs_hint = false} : vector<1000x128xf32>, vector<128x128xf32>, vector<1000x128xf32> -> vector<1000x128xf32>
    %get3A_15 = arith.constant 0 : index
    %get3A_16 = arith.constant 0 : index
    %get3A_17 = vector.load %arg5[%get3A_15, %get3A_16] : memref<1x128xf32, #tpu.memory_space<vmem>>, vector<1x128xf32>
    %add3A_18 = vector.broadcast %get3A_17 : vector<1x128xf32> to vector<1000x128xf32>
    %add3A_19 = arith.addf %dot_general3A_14, %add3A_18 : vector<1000x128xf32>
    %get3A_20 = arith.constant 0 : index
    %get3A_21 = arith.constant 0 : index
    %get3A_22 = vector.load %arg6[%get3A_20, %get3A_21] : memref<128x128xf32, #tpu.memory_space<vmem>>, vector<128x128xf32>
    %dot_general3A_23 = arith.constant dense<0.000000e+00> : vector<1000x128xf32>
    %dot_general3A_24 = tpu.matmul %get3A_1, %get3A_22, %dot_general3A_23 {dimension_numbers = #tpu.dot_dimension_numbers<[1], [0], [0], [1], [0, 0, 1, 1], [], []>, transpose_lhs_hint = false} : vector<1000x128xf32>, vector<128x128xf32>, vector<1000x128xf32> -> vector<1000x128xf32>
    %get3A_25 = arith.constant 0 : index
    %get3A_26 = arith.constant 0 : index
    %get3A_27 = vector.load %arg7[%get3A_25, %get3A_26] : memref<1x128xf32, #tpu.memory_space<vmem>>, vector<1x128xf32>
    %add3A_28 = vector.broadcast %get3A_27 : vector<1x128xf32> to vector<1000x128xf32>
    %add3A_29 = arith.addf %dot_general3A_24, %add3A_28 : vector<1000x128xf32>
    %slice3A = vector.extract_strided_slice %add3A_9 {offsets = [0, 0], sizes = [1000, 64], strides = [1, 1]} : vector<1000x128xf32> to vector<1000x64xf32>
    %swap3A = arith.constant 0 : index
    %swap3A_30 = arith.constant 0 : index
    %swap3A_31 = arith.constant 0 : index
    %swap3A_32 = vector.load %arg8[%swap3A, %swap3A_30, %swap3A_31] : memref<2x1000x64xf32, #tpu.memory_space<vmem>>, vector<1x1000x64xf32>
    %swap3A_33 = vector.shape_cast %swap3A_32 : vector<1x1000x64xf32> to vector<1000x64xf32>
    %swap3A_34 = vector.shape_cast %slice3A : vector<1000x64xf32> to vector<1x1000x64xf32>
    tpu.vector_store %arg8[%swap3A, %swap3A_30, %swap3A_31], %swap3A_34 {strides = array<i32>} : memref<2x1000x64xf32, #tpu.memory_space<vmem>>, vector<1x1000x64xf32>,
    %slice3A_35 = vector.extract_strided_slice %add3A_9 {offsets = [0, 64], sizes = [1000, 64], strides = [1, 1]} : vector<1000x128xf32> to vector<1000x64xf32>
    %swap3A_36 = arith.constant 1 : index
    %swap3A_37 = arith.constant 0 : index
    %swap3A_38 = arith.constant 0 : index
    %swap3A_39 = vector.load %arg8[%swap3A_36, %swap3A_37, %swap3A_38] : memref<2x1000x64xf32, #tpu.memory_space<vmem>>, vector<1x1000x64xf32>
    %swap3A_40 = vector.shape_cast %swap3A_39 : vector<1x1000x64xf32> to vector<1000x64xf32>
    %swap3A_41 = vector.shape_cast %slice3A_35 : vector<1000x64xf32> to vector<1x1000x64xf32>
    tpu.vector_store %arg8[%swap3A_36, %swap3A_37, %swap3A_38], %swap3A_41 {strides = array<i32>} : memref<2x1000x64xf32, #tpu.memory_space<vmem>>, vector<1x1000x64xf32>,
    %slice3A_42 = vector.extract_strided_slice %add3A_19 {offsets = [0, 0], sizes = [1000, 64], strides = [1, 1]} : vector<1000x128xf32> to vector<1000x64xf32>
    %slice3A_43 = vector.extract_strided_slice %add3A_29 {offsets = [0, 0], sizes = [1000, 64], strides = [1, 1]} : vector<1000x128xf32> to vector<1000x64xf32>
    %concatenate3A = tpu.concatenate %slice3A_42, %slice3A_43 in 1 : vector<1000x64xf32>, vector<1000x64xf32> -> vector<1000x128xf32>
    %swap3A_44 = arith.constant 0 : index
    %swap3A_45 = arith.constant 0 : index
    %swap3A_46 = arith.constant 0 : index
    %swap3A_47 = vector.load %arg9[%swap3A_44, %swap3A_45, %swap3A_46] : memref<2x1000x128xf32, #tpu.memory_space<vmem>>, vector<1x1000x128xf32>
    %swap3A_48 = vector.shape_cast %swap3A_47 : vector<1x1000x128xf32> to vector<1000x128xf32>
    %swap3A_49 = vector.shape_cast %concatenate3A : vector<1000x128xf32> to vector<1x1000x128xf32>
    tpu.vector_store %arg9[%swap3A_44, %swap3A_45, %swap3A_46], %swap3A_49 {strides = array<i32>} : memref<2x1000x128xf32, #tpu.memory_space<vmem>>, vector<1x1000x128xf32>,
    %slice3A_50 = vector.extract_strided_slice %add3A_19 {offsets = [0, 64], sizes = [1000, 64], strides = [1, 1]} : vector<1000x128xf32> to vector<1000x64xf32>
    %slice3A_51 = vector.extract_strided_slice %add3A_29 {offsets = [0, 64], sizes = [1000, 64], strides = [1, 1]} : vector<1000x128xf32> to vector<1000x64xf32>
    %concatenate3A_52 = tpu.concatenate %slice3A_50, %slice3A_51 in 1 : vector<1000x64xf32>, vector<1000x64xf32> -> vector<1000x128xf32>
    %swap3A_53 = arith.constant 1 : index
    %swap3A_54 = arith.constant 0 : index
    %swap3A_55 = arith.constant 0 : index
    %swap3A_56 = vector.load %arg9[%swap3A_53, %swap3A_54, %swap3A_55] : memref<2x1000x128xf32, #tpu.memory_space<vmem>>, vector<1x1000x128xf32>
    %swap3A_57 = vector.shape_cast %swap3A_56 : vector<1x1000x128xf32> to vector<1000x128xf32>
    %swap3A_58 = vector.shape_cast %concatenate3A_52 : vector<1000x128xf32> to vector<1x1000x128xf32>
    tpu.vector_store %arg9[%swap3A_53, %swap3A_54, %swap3A_55], %swap3A_58 {strides = array<i32>} : memref<2x1000x128xf32, #tpu.memory_space<vmem>>, vector<1x1000x128xf32>,
    return
  }
  func.func @transform_0(%arg0: i32) -> (i32, i32) {
    %c0_i32 = arith.constant 0 : i32
    %c0_i32_0 = arith.constant 0 : i32
    return %arg0, %c0_i32 : i32, i32
  }
  func.func @transform_1(%arg0: i32) -> (i32, i32) {
    %c0_i32 = arith.constant 0 : i32
    %c0_i32_0 = arith.constant 0 : i32
    %c0_i32_1 = arith.constant 0 : i32
    return %c0_i32, %c0_i32_0 : i32, i32
  }
  func.func @transform_2(%arg0: i32) -> (i32, i32) {
    %c0_i32 = arith.constant 0 : i32
    %c0_i32_0 = arith.constant 0 : i32
    %c0_i32_1 = arith.constant 0 : i32
    return %c0_i32, %c0_i32_0 : i32, i32
  }
  func.func @transform_3(%arg0: i32) -> (i32, i32) {
    %c0_i32 = arith.constant 0 : i32
    %c0_i32_0 = arith.constant 0 : i32
    %c0_i32_1 = arith.constant 0 : i32
    return %c0_i32, %c0_i32_0 : i32, i32
  }
  func.func @transform_4(%arg0: i32) -> (i32, i32) {
    %c0_i32 = arith.constant 0 : i32
    %c0_i32_0 = arith.constant 0 : i32
    %c0_i32_1 = arith.constant 0 : i32
    return %c0_i32, %c0_i32_0 : i32, i32
  }
  func.func @transform_5(%arg0: i32) -> (i32, i32) {
    %c0_i32 = arith.constant 0 : i32
    %c0_i32_0 = arith.constant 0 : i32
    %c0_i32_1 = arith.constant 0 : i32
    return %c0_i32, %c0_i32_0 : i32, i32
  }
  func.func @transform_6(%arg0: i32) -> (i32, i32) {
    %c0_i32 = arith.constant 0 : i32
    %c0_i32_0 = arith.constant 0 : i32
    %c0_i32_1 = arith.constant 0 : i32
    return %c0_i32, %c0_i32_0 : i32, i32
  }
  func.func @transform_7(%arg0: i32) -> (i32, i32, i32) {
    %c0_i32 = arith.constant 0 : i32
    %c0_i32_0 = arith.constant 0 : i32
    %c0_i32_1 = arith.constant 0 : i32
    return %c0_i32, %arg0, %c0_i32_0 : i32, i32, i32
  }
  func.func @transform_8(%arg0: i32) -> (i32, i32, i32) {
    %c0_i32 = arith.constant 0 : i32
    %c0_i32_0 = arith.constant 0 : i32
    %c0_i32_1 = arith.constant 0 : i32
    return %c0_i32, %arg0, %c0_i32_0 : i32, i32, i32
  }
}

module attributes {stable_mosaic.version = 14 : i64} {
  func.func @_post_body(%arg0: i32, %arg1: memref<1000x128xf32, #tpu.memory_space<vmem>>, %arg2: memref<2x1000x64xf32, #tpu.memory_space<vmem>>, %arg3: memref<128x128xf32, #tpu.memory_space<vmem>>, %arg4: memref<1x128xf32, #tpu.memory_space<vmem>>, %arg5: memref<128x512xf32, #tpu.memory_space<vmem>>, %arg6: memref<1x512xf32, #tpu.memory_space<vmem>>, %arg7: memref<512x128xf32, #tpu.memory_space<vmem>>, %arg8: memref<1x128xf32, #tpu.memory_space<vmem>>, %arg9: memref<1x128xf32, #tpu.memory_space<vmem>>, %arg10: memref<1x128xf32, #tpu.memory_space<vmem>>, %arg11: memref<1x128xf32, #tpu.memory_space<vmem>>, %arg12: memref<1x128xf32, #tpu.memory_space<vmem>>, %arg13: memref<1000x128xf32, #tpu.memory_space<vmem>>) attributes {dimension_semantics = [#tpu.dimension_semantics<arbitrary>], iteration_bounds = array<i64: 10>, scalar_prefetch = 0 : i64, scratch_operands = 0 : i64, tpu.core_type = #tpu.core_type<tc>, window_params = [{transform_indices = @transform_0, window_bounds = array<i64: 1000, 128>}, {transform_indices = @transform_1, window_bounds = array<i64: 2, 1000, 64>}, {pipeline_mode = #tpu.pipeline_mode<synchronous>, transform_indices = @transform_2, window_bounds = array<i64: 128, 128>}, {pipeline_mode = #tpu.pipeline_mode<synchronous>, transform_indices = @transform_3, window_bounds = array<i64: 1, 128>}, {pipeline_mode = #tpu.pipeline_mode<synchronous>, transform_indices = @transform_4, window_bounds = array<i64: 128, 512>}, {pipeline_mode = #tpu.pipeline_mode<synchronous>, transform_indices = @transform_5, window_bounds = array<i64: 1, 512>}, {pipeline_mode = #tpu.pipeline_mode<synchronous>, transform_indices = @transform_6, window_bounds = array<i64: 512, 128>}, {pipeline_mode = #tpu.pipeline_mode<synchronous>, transform_indices = @transform_7, window_bounds = array<i64: 1, 128>}, {pipeline_mode = #tpu.pipeline_mode<synchronous>, transform_indices = @transform_8, window_bounds = array<i64: 1, 128>}, {pipeline_mode = #tpu.pipeline_mode<synchronous>, transform_indices = @transform_9, window_bounds = array<i64: 1, 128>}, {pipeline_mode = #tpu.pipeline_mode<synchronous>, transform_indices = @transform_10, window_bounds = array<i64: 1, 128>}, {pipeline_mode = #tpu.pipeline_mode<synchronous>, transform_indices = @transform_11, window_bounds = array<i64: 1, 128>}, {transform_indices = @transform_12, window_bounds = array<i64: 1000, 128>}]} {
    %get3A = arith.constant 0 : index
    %get3A_0 = arith.constant 0 : index
    %get3A_1 = vector.load %arg1[%get3A, %get3A_0] : memref<1000x128xf32, #tpu.memory_space<vmem>>, vector<1000x128xf32>
    %get3A_2 = arith.constant 0 : index
    %get3A_3 = arith.constant 0 : index
    %get3A_4 = arith.constant 0 : index
    %get3A_5 = vector.load %arg2[%get3A_2, %get3A_3, %get3A_4] : memref<2x1000x64xf32, #tpu.memory_space<vmem>>, vector<1x1000x64xf32>
    %get3A_6 = vector.shape_cast %get3A_5 : vector<1x1000x64xf32> to vector<1000x64xf32>
    %get3A_7 = arith.constant 1 : index
    %get3A_8 = arith.constant 0 : index
    %get3A_9 = arith.constant 0 : index
    %get3A_10 = vector.load %arg2[%get3A_7, %get3A_8, %get3A_9] : memref<2x1000x64xf32, #tpu.memory_space<vmem>>, vector<1x1000x64xf32>
    %get3A_11 = vector.shape_cast %get3A_10 : vector<1x1000x64xf32> to vector<1000x64xf32>
    %concatenate3A = tpu.concatenate %get3A_6, %get3A_11 in 1 : vector<1000x64xf32>, vector<1000x64xf32> -> vector<1000x128xf32>
    %get3A_12 = arith.constant 0 : index
    %get3A_13 = arith.constant 0 : index
    %get3A_14 = vector.load %arg3[%get3A_12, %get3A_13] : memref<128x128xf32, #tpu.memory_space<vmem>>, vector<128x128xf32>
    %dot_general3A = arith.constant dense<0.000000e+00> : vector<1000x128xf32>
    %dot_general3A_15 = tpu.matmul %get3A_1, %get3A_14, %dot_general3A {dimension_numbers = #tpu.dot_dimension_numbers<[1], [0], [0], [1], [0, 0, 1, 1], [], []>, transpose_lhs_hint = false} : vector<1000x128xf32>, vector<128x128xf32>, vector<1000x128xf32> -> vector<1000x128xf32>
    %add3A = arith.addf %concatenate3A, %dot_general3A_15 : vector<1000x128xf32>
    %get3A_16 = arith.constant 0 : index
    %get3A_17 = arith.constant 0 : index
    %get3A_18 = vector.load %arg4[%get3A_16, %get3A_17] : memref<1x128xf32, #tpu.memory_space<vmem>>, vector<1x128xf32>
    %add3A_19 = vector.broadcast %get3A_18 : vector<1x128xf32> to vector<1000x128xf32>
    %add3A_20 = arith.addf %add3A, %add3A_19 : vector<1000x128xf32>
    %add3A_21 = arith.addf %get3A_1, %add3A_20 : vector<1000x128xf32>
    %get3A_22 = arith.constant 0 : index
    %get3A_23 = arith.constant 0 : index
    %get3A_24 = vector.load %arg9[%get3A_22, %get3A_23] : memref<1x128xf32, #tpu.memory_space<vmem>>, vector<1x128xf32>
    %get3A_25 = arith.constant 0 : index
    %get3A_26 = arith.constant 0 : index
    %get3A_27 = vector.load %arg10[%get3A_25, %get3A_26] : memref<1x128xf32, #tpu.memory_space<vmem>>, vector<1x128xf32>
    %reduce_sum3A = arith.constant dense<0.000000e+00> : vector<1000xf32>
    %reduce_sum3A_28 = vector.multi_reduction <add>, %add3A_21, %reduce_sum3A [1] : vector<1000x128xf32> to vector<1000xf32>
    %broadcast_in_dim3A = vector.shape_cast %reduce_sum3A_28 : vector<1000xf32> to vector<1000x1xf32>
    %div3A = arith.constant 1.280000e+02 : f32
    %div3A_29 = vector.broadcast %div3A : f32 to vector<1000x1xf32>
    %div3A_30 = arith.divf %broadcast_in_dim3A, %div3A_29 : vector<1000x1xf32>
    %sub3A = vector.broadcast %div3A_30 : vector<1000x1xf32> to vector<1000x128xf32>
    %sub3A_31 = arith.subf %add3A_21, %sub3A : vector<1000x128xf32>
    %integer_pow3A = arith.mulf %sub3A_31, %sub3A_31 : vector<1000x128xf32>
    %reduce_sum3A_32 = arith.constant dense<0.000000e+00> : vector<1000xf32>
    %reduce_sum3A_33 = vector.multi_reduction <add>, %integer_pow3A, %reduce_sum3A_32 [1] : vector<1000x128xf32> to vector<1000xf32>
    %broadcast_in_dim3A_34 = vector.shape_cast %reduce_sum3A_33 : vector<1000xf32> to vector<1000x1xf32>
    %div3A_35 = arith.constant 1.280000e+02 : f32
    %div3A_36 = vector.broadcast %div3A_35 : f32 to vector<1000x1xf32>
    %div3A_37 = arith.divf %broadcast_in_dim3A_34, %div3A_36 : vector<1000x1xf32>
    %sub3A_38 = vector.broadcast %div3A_30 : vector<1000x1xf32> to vector<1000x128xf32>
    %sub3A_39 = arith.subf %add3A_21, %sub3A_38 : vector<1000x128xf32>
    %add3A_40 = arith.constant 9.99999974E-6 : f32
    %add3A_41 = vector.broadcast %add3A_40 : f32 to vector<1000x1xf32>
    %add3A_42 = arith.addf %div3A_37, %add3A_41 : vector<1000x1xf32>
    %sqrt3A = math.sqrt %add3A_42 : vector<1000x1xf32>
    %div3A_43 = vector.broadcast %sqrt3A : vector<1000x1xf32> to vector<1000x128xf32>
    %div3A_44 = arith.divf %sub3A_39, %div3A_43 : vector<1000x128xf32>
    %mul3A = vector.broadcast %get3A_24 : vector<1x128xf32> to vector<1000x128xf32>
    %mul3A_45 = arith.mulf %div3A_44, %mul3A : vector<1000x128xf32>
    %add3A_46 = vector.broadcast %get3A_27 : vector<1x128xf32> to vector<1000x128xf32>
    %add3A_47 = arith.addf %mul3A_45, %add3A_46 : vector<1000x128xf32>
    %get3A_48 = arith.constant 0 : index
    %get3A_49 = arith.constant 0 : index
    %get3A_50 = vector.load %arg5[%get3A_48, %get3A_49] : memref<128x512xf32, #tpu.memory_space<vmem>>, vector<128x512xf32>
    %dot_general3A_51 = arith.constant dense<0.000000e+00> : vector<1000x512xf32>
    %dot_general3A_52 = tpu.matmul %add3A_47, %get3A_50, %dot_general3A_51 {dimension_numbers = #tpu.dot_dimension_numbers<[1], [0], [0], [1], [0, 0, 1, 1], [], []>, transpose_lhs_hint = false} : vector<1000x128xf32>, vector<128x512xf32>, vector<1000x512xf32> -> vector<1000x512xf32>
    %get3A_53 = arith.constant 0 : index
    %get3A_54 = arith.constant 0 : index
    %get3A_55 = vector.load %arg6[%get3A_53, %get3A_54] : memref<1x512xf32, #tpu.memory_space<vmem>>, vector<1x512xf32>
    %add3A_56 = vector.broadcast %get3A_55 : vector<1x512xf32> to vector<1000x512xf32>
    %add3A_57 = arith.addf %dot_general3A_52, %add3A_56 : vector<1000x512xf32>
    %max3A = arith.constant 0.000000e+00 : f32
    %max3A_58 = vector.broadcast %max3A : f32 to vector<1000x512xf32>
    %max3A_59 = arith.maximumf %add3A_57, %max3A_58 : vector<1000x512xf32>
    %get3A_60 = arith.constant 0 : index
    %get3A_61 = arith.constant 0 : index
    %get3A_62 = vector.load %arg7[%get3A_60, %get3A_61] : memref<512x128xf32, #tpu.memory_space<vmem>>, vector<512x128xf32>
    %dot_general3A_63 = arith.constant dense<0.000000e+00> : vector<1000x128xf32>
    %dot_general3A_64 = tpu.matmul %max3A_59, %get3A_62, %dot_general3A_63 {dimension_numbers = #tpu.dot_dimension_numbers<[1], [0], [0], [1], [0, 0, 1, 1], [], []>, transpose_lhs_hint = false} : vector<1000x512xf32>, vector<512x128xf32>, vector<1000x128xf32> -> vector<1000x128xf32>
    %get3A_65 = arith.constant 0 : index
    %get3A_66 = arith.constant 0 : index
    %get3A_67 = vector.load %arg8[%get3A_65, %get3A_66] : memref<1x128xf32, #tpu.memory_space<vmem>>, vector<1x128xf32>
    %add3A_68 = vector.broadcast %get3A_67 : vector<1x128xf32> to vector<1000x128xf32>
    %add3A_69 = arith.addf %dot_general3A_64, %add3A_68 : vector<1000x128xf32>
    %add3A_70 = arith.addf %add3A_47, %add3A_69 : vector<1000x128xf32>
    %get3A_71 = arith.constant 0 : index
    %get3A_72 = arith.constant 0 : index
    %get3A_73 = vector.load %arg11[%get3A_71, %get3A_72] : memref<1x128xf32, #tpu.memory_space<vmem>>, vector<1x128xf32>
    %get3A_74 = arith.constant 0 : index
    %get3A_75 = arith.constant 0 : index
    %get3A_76 = vector.load %arg12[%get3A_74, %get3A_75] : memref<1x128xf32, #tpu.memory_space<vmem>>, vector<1x128xf32>
    %reduce_sum3A_77 = arith.constant dense<0.000000e+00> : vector<1000xf32>
    %reduce_sum3A_78 = vector.multi_reduction <add>, %add3A_70, %reduce_sum3A_77 [1] : vector<1000x128xf32> to vector<1000xf32>
    %broadcast_in_dim3A_79 = vector.shape_cast %reduce_sum3A_78 : vector<1000xf32> to vector<1000x1xf32>
    %div3A_80 = arith.constant 1.280000e+02 : f32
    %div3A_81 = vector.broadcast %div3A_80 : f32 to vector<1000x1xf32>
    %div3A_82 = arith.divf %broadcast_in_dim3A_79, %div3A_81 : vector<1000x1xf32>
    %sub3A_83 = vector.broadcast %div3A_82 : vector<1000x1xf32> to vector<1000x128xf32>
    %sub3A_84 = arith.subf %add3A_70, %sub3A_83 : vector<1000x128xf32>
    %integer_pow3A_85 = arith.mulf %sub3A_84, %sub3A_84 : vector<1000x128xf32>
    %reduce_sum3A_86 = arith.constant dense<0.000000e+00> : vector<1000xf32>
    %reduce_sum3A_87 = vector.multi_reduction <add>, %integer_pow3A_85, %reduce_sum3A_86 [1] : vector<1000x128xf32> to vector<1000xf32>
    %broadcast_in_dim3A_88 = vector.shape_cast %reduce_sum3A_87 : vector<1000xf32> to vector<1000x1xf32>
    %div3A_89 = arith.constant 1.280000e+02 : f32
    %div3A_90 = vector.broadcast %div3A_89 : f32 to vector<1000x1xf32>
    %div3A_91 = arith.divf %broadcast_in_dim3A_88, %div3A_90 : vector<1000x1xf32>
    %sub3A_92 = vector.broadcast %div3A_82 : vector<1000x1xf32> to vector<1000x128xf32>
    %sub3A_93 = arith.subf %add3A_70, %sub3A_92 : vector<1000x128xf32>
    %add3A_94 = arith.constant 9.99999974E-6 : f32
    %add3A_95 = vector.broadcast %add3A_94 : f32 to vector<1000x1xf32>
    %add3A_96 = arith.addf %div3A_91, %add3A_95 : vector<1000x1xf32>
    %sqrt3A_97 = math.sqrt %add3A_96 : vector<1000x1xf32>
    %div3A_98 = vector.broadcast %sqrt3A_97 : vector<1000x1xf32> to vector<1000x128xf32>
    %div3A_99 = arith.divf %sub3A_93, %div3A_98 : vector<1000x128xf32>
    %mul3A_100 = vector.broadcast %get3A_73 : vector<1x128xf32> to vector<1000x128xf32>
    %mul3A_101 = arith.mulf %div3A_99, %mul3A_100 : vector<1000x128xf32>
    %add3A_102 = vector.broadcast %get3A_76 : vector<1x128xf32> to vector<1000x128xf32>
    %add3A_103 = arith.addf %mul3A_101, %add3A_102 : vector<1000x128xf32>
    %swap3A = arith.constant 0 : index
    %swap3A_104 = arith.constant 0 : index
    %swap3A_105 = vector.load %arg13[%swap3A, %swap3A_104] : memref<1000x128xf32, #tpu.memory_space<vmem>>, vector<1000x128xf32>
    tpu.vector_store %arg13[%swap3A, %swap3A_104], %add3A_103 {strides = array<i32>} : memref<1000x128xf32, #tpu.memory_space<vmem>>, vector<1000x128xf32>,
    return
  }
  func.func @transform_0(%arg0: i32) -> (i32, i32) {
    %c0_i32 = arith.constant 0 : i32
    %c0_i32_0 = arith.constant 0 : i32
    return %arg0, %c0_i32 : i32, i32
  }
  func.func @transform_1(%arg0: i32) -> (i32, i32, i32) {
    %c0_i32 = arith.constant 0 : i32
    %c0_i32_0 = arith.constant 0 : i32
    %c0_i32_1 = arith.constant 0 : i32
    return %c0_i32, %arg0, %c0_i32_0 : i32, i32, i32
  }
  func.func @transform_2(%arg0: i32) -> (i32, i32) {
    %c0_i32 = arith.constant 0 : i32
    %c0_i32_0 = arith.constant 0 : i32
    %c0_i32_1 = arith.constant 0 : i32
    return %c0_i32, %c0_i32_0 : i32, i32
  }
  func.func @transform_3(%arg0: i32) -> (i32, i32) {
    %c0_i32 = arith.constant 0 : i32
    %c0_i32_0 = arith.constant 0 : i32
    %c0_i32_1 = arith.constant 0 : i32
    return %c0_i32, %c0_i32_0 : i32, i32
  }
  func.func @transform_4(%arg0: i32) -> (i32, i32) {
    %c0_i32 = arith.constant 0 : i32
    %c0_i32_0 = arith.constant 0 : i32
    %c0_i32_1 = arith.constant 0 : i32
    return %c0_i32, %c0_i32_0 : i32, i32
  }
  func.func @transform_5(%arg0: i32) -> (i32, i32) {
    %c0_i32 = arith.constant 0 : i32
    %c0_i32_0 = arith.constant 0 : i32
    %c0_i32_1 = arith.constant 0 : i32
    return %c0_i32, %c0_i32_0 : i32, i32
  }
  func.func @transform_6(%arg0: i32) -> (i32, i32) {
    %c0_i32 = arith.constant 0 : i32
    %c0_i32_0 = arith.constant 0 : i32
    %c0_i32_1 = arith.constant 0 : i32
    return %c0_i32, %c0_i32_0 : i32, i32
  }
  func.func @transform_7(%arg0: i32) -> (i32, i32) {
    %c0_i32 = arith.constant 0 : i32
    %c0_i32_0 = arith.constant 0 : i32
    %c0_i32_1 = arith.constant 0 : i32
    return %c0_i32, %c0_i32_0 : i32, i32
  }
  func.func @transform_8(%arg0: i32) -> (i32, i32) {
    %c0_i32 = arith.constant 0 : i32
    %c0_i32_0 = arith.constant 0 : i32
    %c0_i32_1 = arith.constant 0 : i32
    return %c0_i32, %c0_i32_0 : i32, i32
  }
  func.func @transform_9(%arg0: i32) -> (i32, i32) {
    %c0_i32 = arith.constant 0 : i32
    %c0_i32_0 = arith.constant 0 : i32
    %c0_i32_1 = arith.constant 0 : i32
    return %c0_i32, %c0_i32_0 : i32, i32
  }
  func.func @transform_10(%arg0: i32) -> (i32, i32) {
    %c0_i32 = arith.constant 0 : i32
    %c0_i32_0 = arith.constant 0 : i32
    %c0_i32_1 = arith.constant 0 : i32
    return %c0_i32, %c0_i32_0 : i32, i32
  }
  func.func @transform_11(%arg0: i32) -> (i32, i32) {
    %c0_i32 = arith.constant 0 : i32
    %c0_i32_0 = arith.constant 0 : i32
    %c0_i32_1 = arith.constant 0 : i32
    return %c0_i32, %c0_i32_0 : i32, i32
  }
  func.func @transform_12(%arg0: i32) -> (i32, i32) {
    %c0_i32 = arith.constant 0 : i32
    %c0_i32_0 = arith.constant 0 : i32
    return %arg0, %c0_i32 : i32, i32
  }
}

</mosaic_0001>

<sc_bundles>
// kernel: kernel.5.cloned.1.call-start
scs
__scs_entry_jumppad:
0x0: {  	(pc) =	sbr.rel $0x88, $3  }
0x1: {  	(tag) =	ssettag $0x0;
	lr =	simm.s32 $0x1  }
0x2: {  	[smem:$0x3F8F] =	sst lr;
	_ =	strace $0xD0000000  }
0x3: {  	_ = 	snop  }
0x4: {  	_ = 	snop  }
0x5: {  	_ = 	snop  }
0x6: {  	_ = 	snop  }
0x7: {  	_ = 	snop  }
__scs_overlays_trampoline_lowered:
0x8: {  	[smem:$0x3F9E] =	sst s0  }
0x9: {  	[smem:$0x3F9F] =	sst s1  }
0xa: {  	[smem:$0x3FA0] =	sst s2  }
0xb: {  	[smem:$0x3FA1] =	sst s3  }
0xc: {  	[smem:$0x3FA2] =	sst s4  }
0xd: {  	[smem:$0x3FA3] =	sst s5  }
0xe: {  	[smem:$0x3FA4] =	sst s6  }
0xf: {  	[smem:$0x3FA5] =	sst s7  }
0x10: {  	[smem:$0x3FA6] =	sst s8  }
0x11: {  	[smem:$0x3FA7] =	sst s9;
	s0 =	simm.s32 @!p0 $0x0  }
0x12: {  	s1 =	sld [smem:$0x3F8D];
	s0 =	simm.s32 @p0 $0x1  }
0x13: {  	[smem:$0x3FA8] =	sst s0;
	s0 =	simm.s32 @!p1 $0x0  }
0x14: {  	s2 =	sld [smem:$0x3F8C];
	s0 =	simm.s32 @p1 $0x1  }
0x15: {  	[smem:$0x3FA9] =	sst s0;
	s0 =	simm.s32 @!p2 $0x0  }
0x16: {  	s3 =	sld [smem:$0x3FDB];
	s0 =	simm.s32 @p2 $0x1  }
0x17: {  	s4 =	simm.s32 $0x1BF5;
	[smem:$0x3FAB] =	sst s0  }
0x18: {  	s0 =	sld [smem:$0x3F8E];
	_ =	swait.ge [sflag:s4], $0x0  }
0x19: {  	s7 =	sld [smem:$0x3F8F]  }
0x1a: {  	s8 =	sadd.s32 $0xFFFFE003, lr  }
0x1b: {  	s9 =	sadd.s32 $0xFFFFFEF7, lr;
	s5 =	simm.s32 $0xFFFFFFFF;
	p2 =	slt.u32 s8, $0xFFFFF086  }
0x1c: {  	p1 =	slt.u32 s9, $0xF7A;
	s5 =	simm.s32 @!p2 $0x0  }
0x1d: {  	s5 =	simm.s32 @p1 $0x1;
	p0 =	seq.s32 s7, s2  }
0x1e: {  	s7 =	smul.u32 @!p0 $0xF7A, s2;
	p2 =	seq.s32 @!p0 s5, $0x0  }
0x1f: {  	s9 =	smul.u32 $0xF7A, s1;
	s8 =	simm.s32 @!p0 $0x1BF5;
	p2 =	por !p2, p0  }
0x20: {  	[sflag:s8] =	ssyncset.s32 @!p0 $0xFFFFF086;
	s6 =	sadd.s32 @!p0 s3, s7;
	s7 =	simm.s32 @!p0 $0x108  }
0x21: {  	s3 =	sadd.s32 s3, s9;
	s6 =	sadd.s32 @!p0 $0x88, s6;
	s7 =	simm.s32 @p2 $0x1082  }
0x22: {  	[simem:s7], [sflag:s8] =	dma.local @!p0 [hbm:s6], $0xF7A  }
0x23: {  	s9 =	sor.u32 $0xD0000000, s2;
	s6 =	simm.s32 $0x108;
	_ =	swait.ge @!p0 [sflag:s8], $0x0  }
0x24: {  	s3 =	sadd.s32 $0x88, s3;
	s6 =	simm.s32 @!p1 $0x1082;
	[sflag:s4] =	ssyncset.s32 $0xFFFFF086  }
0x25: {  	[simem:s6], [sflag:s4] =	dma.local [hbm:s3], $0xF7A  }
0x26: {  	[smem:$0x3F8F] =	sst s1;
	(tag) =	ssettag s2;
	_ =	strace s9  }
0x27: {  	s1 =	sld [smem:$0x3F9F]  }
0x28: {  	s2 =	sld [smem:$0x3FA0]  }
0x29: {  	s4 =	sld [smem:$0x3FA2]  }
0x2a: {  	p0 =	seq.s32 s5, $0x0;
	s5 =	sld [smem:$0x3FA3]  }
0x2b: {  	s6 =	sld [smem:$0x3FA4]  }
0x2c: {  	s7 =	sld [smem:$0x3FA5]  }
0x2d: {  	s3 =	simm.s32 $0x108;
	s8 =	sld [smem:$0x3FA6]  }
0x2e: {  	s3 =	simm.s32 @!p0 $0x1082;
	s9 =	sld [smem:$0x3FA7]  }
0x2f: {  	lr =	sadd.s32 s0, s3;
	s0 =	sld [smem:$0x3F9E]  }
0x30: {  	s3 =	sld [smem:$0x3FA1]  }
0x31: {  	[smem:$0x3FAA] =	sst s10  }
0x32: {  	s10 =	sld [smem:$0x3FA8];
	_ =	sdelay $0x3  }
0x33: {  	p0 =	seq.s32 s10, $0x1;
	s10 =	sld [smem:$0x3FAA];
	_ =	sdelay $0x3  }
0x34: {  	[smem:$0x3FAA] =	sst s10  }
0x35: {  	s10 =	sld [smem:$0x3FA9];
	_ =	sdelay $0x3  }
0x36: {  	p1 =	seq.s32 s10, $0x1;
	s10 =	sld [smem:$0x3FAA];
	_ =	sdelay $0x3  }
0x37: {  	[smem:$0x3FAA] =	sst s10  }
0x38: {  	s10 =	sld [smem:$0x3FAB]  }
0x39: {  	_ = 	snop;
	(pc) =	sbr.ind lr, $3  }
0x3a: {  	_ = 	snop  }
0x3b: {  	_ = 	snop  }
0x3c: {  	p2 =	seq.s32 s10, $0x1;
	s10 =	sld [smem:$0x3FAA]  }
0x3d: {  	_ =	shalt  }
0x3e: {  	_ =	shalt  }
0x3f: {  	_ =	shalt  }
0x40: {  	_ =	shalt  }
0x41: {  	_ =	shalt  }
0x42: {  	_ =	shalt  }
0x43: {  	_ =	shalt  }
0x44: {  	_ =	shalt  }
0x45: {  	_ =	shalt  }
0x46: {  	_ =	shalt  }
0x47: {  	_ =	shalt  }
0x48: {  	_ =	shalt  }
0x49: {  	_ =	shalt  }
0x4a: {  	_ =	shalt  }
0x4b: {  	_ =	shalt  }
0x4c: {  	_ =	shalt  }
0x4d: {  	_ =	shalt  }
0x4e: {  	_ =	shalt  }
0x4f: {  	_ =	shalt  }
0x50: {  	_ =	shalt  }
0x51: {  	_ =	shalt  }
0x52: {  	_ =	shalt  }
0x53: {  	_ =	shalt  }
0x54: {  	_ =	shalt  }
0x55: {  	_ =	shalt  }
0x56: {  	_ =	shalt  }
0x57: {  	_ =	shalt  }
0x58: {  	_ =	shalt  }
0x59: {  	_ =	shalt  }
0x5a: {  	_ =	shalt  }
0x5b: {  	_ =	shalt  }
0x5c: {  	_ =	shalt  }
0x5d: {  	_ =	shalt  }
0x5e: {  	_ =	shalt  }
0x5f: {  	_ =	shalt  }
0x60: {  	_ =	shalt  }
0x61: {  	_ =	shalt  }
0x62: {  	_ =	shalt  }
0x63: {  	_ =	shalt  }
0x64: {  	_ =	shalt  }
0x65: {  	_ =	shalt  }
0x66: {  	_ =	shalt  }
0x67: {  	_ =	shalt  }
0x68: {  	_ =	shalt  }
0x69: {  	_ =	shalt  }
0x6a: {  	_ =	shalt  }
0x6b: {  	_ =	shalt  }
0x6c: {  	_ =	shalt  }
0x6d: {  	_ =	shalt  }
0x6e: {  	_ =	shalt  }
0x6f: {  	_ =	shalt  }
0x70: {  	_ =	shalt  }
0x71: {  	_ =	shalt  }
0x72: {  	_ =	shalt  }
0x73: {  	_ =	shalt  }
0x74: {  	_ =	shalt  }
0x75: {  	_ =	shalt  }
0x76: {  	_ =	shalt  }
0x77: {  	_ =	shalt  }
0x78: {  	_ =	shalt  }
0x79: {  	_ =	shalt  }
0x7a: {  	_ =	shalt  }
0x7b: {  	_ =	shalt  }
0x7c: {  	_ =	shalt  }
0x7d: {  	_ =	shalt  }
0x7e: {  	_ =	shalt  }
0x7f: {  	_ =	shalt  }
0x80: {  	_ =	shalt  }
0x81: {  	_ =	shalt  }
0x82: {  	_ =	shalt  }
0x83: {  	_ =	shalt  }
0x84: {  	_ =	shalt  }
0x85: {  	_ =	shalt  }
0x86: {  	_ =	shalt  }
0x87: {  	_ =	shalt  }
.Lfunc_end0:
.L_simem_size_0:
called_computation_lowered:
.L_overlay_start_0:
0x88: {  	s2 =	sld [smem:$0x3FD9]  }
0x89: {  	s3 =	sld [smem:$0x3FFE];
	_ =	sdelay $0x1  }
0x8a: {  	s1 =	srdreg.scid  }
0x8b: {  	s0 =	sand.u32 $0x1, s1  }
0x8c: {  	s17 =	sshll.u32 s0, $0xA;
	s2 =	sadd.s32 s3, s2  }
0x8d: {  	s2 =	sadd.s32 s2, s17  }
0x8e: {  	[smem:$0x3FB6] =	sst s2  }
0x8f: {  	_ = 	snop  }
0x90: {  	s2 =	sld [smem:$0x3FD0];
	(tm) =	ssettm $0x1  }
0x91: {  	s18 =	sld [smem:$0x3FFB];
	_ =	sdelay $0x3  }
0x92: {  	_ =	strace s18  }
0x93: {  	s3 =	sld [smem:$0x3FFC];
	_ =	sdelay $0x3  }
0x94: {  	_ =	strace s3  }
0x95: {  	s3 =	sld [smem:$0x3FFD];
	_ =	sdelay $0x3  }
0x96: {  	_ =	strace s3  }
0x97: {  	_ =	strace $0x8FFFFFFF  }
0x98: {  	s19 =	sld [smem:$0x3FDB];
	_ =	sdelay $0x1  }
0x99: {  	s4 =	simm.s32 $_scs_section_size  }
0x9a: {  	s5 =	simm.s32 $_size__tile_overlayer_lowered;
	s6 =	simm.s32 $_tile_overlayer_lowered  }
0x9b: {  	s22 =	simm.s32 $0x1BFF;
	s21 =	sshll.u32 s6, $0x1;
	s3 =	sadd.s32 s4, s19  }
0x9c: {  	s7 =	simm.s32 $0x0;
	s20 =	sshll.u32 s5, $0x1;
	s5 =	sadd.s32 s21, s3  }
0x9d: {  	[timem:s7], [sflag:s22] =	dma.local [hbm:s5], s20  }
0x9e: {  	_ =	swait.ge [sflag:s22], s20  }
0x9f: {  	s4 =	ssub.s32 $0x0, s20;
	[sflag:s22] =	ssyncset.done $0x0  }
0xa0: {  	[sflag:s22] =	ssyncadd.s32 s4;
	_ =	sdelay $0x1  }
0xa1: {  	s23 =	simm.s32 $0x1B8B  }
0xa2: {  	_ =	swait.ge [sflag:s23], $0x1  }
0xa3: {  	[sflag:s23] =	ssyncset.done $0x0  }
0xa4: {  	s25 =	simm.s32 $0x1B8E;
	s24 =	sld [smem:$0x3FFE];
	[sflag:s23] =	ssyncadd.s32 $0xFFFFFFFF  }
0xa5: {  	s26 =	simm.s32 $execute0_lowered;
	[smem:$0x3FD2] =	sst s25  }
0xa6: {  	s5 =	sshll.u32 s26, $0x1;
	_ =	strace $0x80000046;
	[dreg:$0x1] =	wrdreg $0xFFFFFFFF  }
0xa7: {  	s28 =	simm.s32 $_size_execute0_lowered;
	s3 =	sadd.s32 s3, s5;
	[dreg:$0x0] =	wrdreg $0x0  }
0xa8: {  	s5 =	sshll.u32 s28, $0x1;
	[dreg:$0x2] =	wrdreg s3  }
0xa9: {  	[dreg:$0x3] =	wrdreg s5  }
0xaa: {  	[dreg:$0x4] =	wrdreg $0xC0  }
0xab: {  	_ =	task [dreg:s7], $0x5FFFF  }
0xac: {  	[dreg:$0x1] =	wrdreg $0xFFFFFFFF  }
0xad: {  	[dreg:$0x0] =	wrdreg $0x60  }
0xae: {  	[dreg:$0x2] =	wrdreg s2  }
0xaf: {  	[dreg:$0x3] =	wrdreg s24  }
0xb0: {  	[dreg:$0x4] =	wrdreg $0xC6200  }
0xb1: {  	[dreg:$0x5] =	wrdreg $0x9  }
0xb2: {  	_ =	task.clear_ibuf [dreg:s7], $0x6FFFF;
	_ =	strace $0x90000046  }
0xb3: {  	s29 =	simm.s32 $0x9;
	_ =	strace $0x80000048  }
0xb4: {  	_ =	swait.ge [sflag:s29], $0x1  }
0xb5: {  	[sflag:s29] =	ssyncadd.s32 $0xFFFFFFFF  }
0xb6: {  	_ =	strace $0x90000048  }
0xb7: {  	_ =	sfence  }
0xb8: {  	s30 =	sld [smem:$0x0];
	_ =	sdelay $0x2  }
0xb9: {  	s31 =	sshll.u32 s1, $0xD;
	s1 =	sshrl.u32 s1, $0x2  }
0xba: {  	s3 =	sand.u32 $0x4000, s31;
	s1 =	sadd.s32 s1, s30  }
0xbb: {  	s0 =	sor.u32 s3, s0;
	s1 =	sshll.u32 s1, $0x11  }
0xbc: {  	s0 =	sor.u32 s1, s0  }
0xbd: {  	s0 =	sadd.s32 $0x8F2B, s0  }
0xbe: {  	[sflag:s0] =	ssyncadd.remote.s32 $0x1  }
0xbf: {  	_ =	sfence.sel $0xFFFF  }
0xc0: {  	[dreg:$0x0] =	wrdreg $0xFFFFFFFF;
	(pc) =	sbr.abs _section_cstart, $3  }
0xc1: {  	[dreg:$0x1] =	wrdreg $0xFFFFFFFF  }
0xc2: {  	_ =	task.clear_ibuf [dreg:s7], $0x2FFFF;
	_ =	strace $0x9FFFFFFF  }
0xc3: {  	(tm) =	ssettm $0x7FFFFFFF  }
tec
execute0_lowered:
.L_overlay_start_1:
0x0: {  	(tag) =	ssettag $0x1  }
0x1: {  	s18 =	stileid.u32  }
0x2: {  	s2 =	srdreg.scid;
	s7 =	smul.u32 $0xFA00, s18  }
0x3: {  	s6 =	sand.u32 $0x1, s2;
	s21 =	smul.u32 $0x640, s18  }
0x4: {  	s0 =	rddreg [dreg:$0x0];
	s4 =	smul.u32 $0x27100, s6  }
0x5: {  	s3 =	rddreg [dreg:$0x1];
	s10 =	sor.u32 $0x10, s18;
	s11 =	smul.u32 $0x13880, s6  }
0x6: {  	s1 =	rddreg [dreg:$0x2];
	s13 =	sor.u32 $0x20, s18;
	s8 =	smul.u32 $0xFA00, s10  }
0x7: {  	s19 =	simm.s32 $0x14A0;
	s15 =	sor.u32 $0x30, s18;
	s14 =	smul.u32 $0xFA00, s13  }
0x8: {  	s20 =	simm.s32 $0x3CA0;
	s25 =	simm.s32 $0x9420;
	s17 =	smul.u32 $0xFA00, s15  }
0x9: {  	s2 =	simm.s32 $0x0;
	s5 =	sadd.s32 $0x50400, s3;
	s22 =	smul.u32 $0x640, s10  }
0xa: {  	p0 =	sgt.u32 s18, $0x1;
	[smem:$0x7FF] =	sst s2;
	s30 =	smul.u32 $0x640, s13  }
0xb: {  	s6 =	ssub.s32 $0x2, s6;
	s24 =	smul.u32 $0x640, s15;
	s15 =	simm.s32 $0x2  }
0xc: {  	_ =	strace $0x80000047;
	s9 =	sshrl.u32 s6, $0x1;
	s26 =	sshrl.u32 s7, $0x2  }
0xd: {  	s7 =	smul.u32 $0x4E20, s18;
	s18 =	simm.s32 $0x1;
	s12 =	sadd.s32 s4, s3  }
0xe: {  	s4 =	sadd.s32 $0x5A200, s3;
	s3 =	sadd.s32 s11, s3;
	s16 =	ssub.s32 s6, s9  }
0xf: {  	s6 =	sadd.s32 s26, s1;
	s8 =	sshrl.u32 s8, $0x2;
	s28 =	sshrl.u32 s14, $0x2  }
0x10: {  	s29 =	sshrl.u32 s17, $0x2;
	s11 =	sadd.s32 s0, s11;
	s14 =	simm.s32 $0x55A0  }
.Ltmp0:
0x11: {  	s17 =	simm.s32 $0xA0;
	s26 =	simm.s32 $0x0;
	(pc) =	sbr.rel .LBB2_1-.Ltmp0, $4  }
0x12: {  	s8 =	sadd.s32 s8, s1;
	s9 =	sadd.s32 s28, s1;
	s10 =	sadd.s32 s29, s1  }
0x13: {  	s12 =	sadd.s32 $0x2200, s12;
	s3 =	sadd.s32 $0x64000, s3;
	s13 =	smax.u32 s16, $0x1  }
0x14: {  	v0 =	vimm.f32 $0.0e+00;
	vm0 =	vmmov $0x1;
	s16 =	simm.s32 $0x50;
	s21 =	sadd.s32 s21, s3;
	s31 =	sadd.s32 s24, s3  }
0x15: {  	vm1 =	vcmask $0x310;
	vm2 =	vcmask $0x710;
	vm3 =	vcmask $0xB10;
	s22 =	sadd.s32 s22, s3;
	s23 =	sadd.s32 s30, s3;
	[dreg:$0x4] =	wrdreg s31  }
.LBB2_17:
0x16: {  	s26 =	sadd.s32 $0x1, s26  }
0x17: {  	p1 =	sne.s32 s26, s13  }
.Ltmp1:
0x18: {  	_ = 	snop;
	(pc) =	sbr.rel @!p1 .LBB2_18-.Ltmp1, $1  }
0x19: {  	_ =	sdelay $0x3  }
.LBB2_1:
0x1a: {  	s3 =	simm.s32 $0x140;
	s0 =	simm.s32 $0x0  }
.LBB2_2:
0x1b: {  	p1 =	sne.s32 s3, $0xF8C0;
	[tilespmem:s0+$0x55E0] =	vst v0;
	s28 =	smov.u32 s3;
	s3 =	sadd.s32 $0x140, s3  }
.Ltmp2:
0x1c: {  	[tilespmem:s0+$0x55D0] =	vst v0;
	(pc) =	sbr.rel @p1 .LBB2_2-.Ltmp2, $4  }
0x1d: {  	[tilespmem:s0+$0x55C0] =	vst v0  }
0x1e: {  	[tilespmem:s0+$0x55A0] =	vst v0  }
0x1f: {  	[tilespmem:s0+$0x55B0] =	vst v0  }
0x20: {  	s0 =	sshra.s32 s28, $0x2  }
0x21: {  	[tilespmem:s0+$0x55E0] =	vst v0  }
0x22: {  	[tilespmem:s0+$0x55D0] =	vst v0  }
0x23: {  	[tilespmem:s0+$0x55C0] =	vst v0  }
0x24: {  	[tilespmem:s0+$0x55A0] =	vst v0  }
0x25: {  	[tilespmem:s0+$0x55B0] =	vst v0  }
0x26: {  	[spmem:s6] =	stream.linear.scatter [tilespmem:s14], [sflag:$0x2], $0x3E80, $0x38;
	[tilespmem:$0x18970] =	vst v63  }
0x27: {  	_ =	swait.ge [sflag:s15], $0x3E80  }
0x28: {  	[sflag:s15] =	ssyncset.done $0x0  }
0x29: {  	[sflag:s15] =	ssyncadd.s32 $0xFFFFC180  }
0x2a: {  	[spmem:s8] =	stream.linear.scatter [tilespmem:s14], [sflag:$0x2], $0x3E80, $0x38;
	[tilespmem:$0x18970] =	vst v63  }
0x2b: {  	_ =	swait.ge [sflag:s15], $0x3E80  }
0x2c: {  	[sflag:s15] =	ssyncset.done $0x0  }
0x2d: {  	[sflag:s15] =	ssyncadd.s32 $0xFFFFC180  }
0x2e: {  	[spmem:s9] =	stream.linear.scatter [tilespmem:s14], [sflag:$0x2], $0x3E80, $0x38;
	[tilespmem:$0x18970] =	vst v63  }
0x2f: {  	_ =	swait.ge [sflag:s15], $0x3E80  }
0x30: {  	[sflag:s15] =	ssyncset.done $0x0  }
0x31: {  	s0 =	simm.s32 @!p0 $0x55A0;
	[sflag:s15] =	ssyncadd.s32 $0xFFFFC180  }
0x32: {  	[spmem:s10] =	stream.linear.scatter @!p0 [tilespmem:s0], [sflag:$0x2], $0x3E80, $0x38;
	[tilespmem:$0x18970] =	vst v63  }
0x33: {  	s0 =	simm.s32 @!p0 $0x2  }
0x34: {  	_ =	swait.ge @!p0 [sflag:s0], $0x3E80  }
0x35: {  	[sflag:s0] =	ssyncset.done @!p0 $0x0  }
0x36: {  	[sflag:s0] =	ssyncadd.s32 @!p0 $0xFFFFC180  }
0x37: {  	s28 =	simm.s32 $0x0;
	[bflag:$0x0] =	sbarrier.arrive $0xFFFF  }
.LBB2_4:
0x38: {  	s0 =	smul.u32 $0x50, s28;
	_ =	sdelay $0x1  }
0x39: {  	s0 =	sadd.s32 s7, s0  }
0x3a: {  	s0 =	sshrl.u32 s0, $0x3  }
0x3b: {  	s3 =	sadd.s32 s4, s0  }
0x3c: {  	[tilespmem:s2], [sflag:$0x2] =	stream.linear.gather [hbm4b:s3+s2], $0x50, $0x38;
	[tilespmem:$0x18970] =	vst v63  }
0x3d: {  	_ =	swait.ge [sflag:s15], $0x50  }
0x3e: {  	[sflag:s15] =	ssyncset.done $0x0  }
0x3f: {  	s0 =	sadd.s32 s5, s0;
	[sflag:s15] =	ssyncadd.s32 $0xFFFFFFB0  }
0x40: {  	[tilespmem:s16], [sflag:$0x2] =	stream.linear.gather [hbm4b:s0+s2], $0x50, $0x38;
	[tilespmem:$0x18970] =	vst v63  }
0x41: {  	_ =	swait.ge [sflag:s15], $0x50  }
0x42: {  	[sflag:s15] =	ssyncset.done $0x0  }
0x43: {  	[sflag:s15] =	ssyncadd.s32 $0xFFFFFFB0  }
0x44: {  	[tilespmem:s17], [sflag:$0x1] =	stream.indirect.gather [hbm4b:s11+s16], $0x40, s16, s16, $0xb8;
	[tilespmem:$0x18970] =	vst v63  }
0x45: {  	_ =	swait.ge [sflag:s18], $0x1400  }
0x46: {  	[sflag:s18] =	ssyncset.done $0x0  }
0x47: {  	[sflag:s18] =	ssyncadd.s32 $0xFFFFEC00  }
0x48: {  	[tilespmem:s19], [sflag:$0x1] =	stream.indirect.gather [hbm4b:s12+s16], $0x80, s2, s16, $0xb8;
	[tilespmem:$0x18970] =	vst v63  }
0x49: {  	_ =	swait.ge [sflag:s18], $0x2800  }
0x4a: {  	[sflag:s18] =	ssyncset.done $0x0  }
0x4b: {  	s29 =	simm.s32 $0x14E0;
	[sflag:s18] =	ssyncadd.s32 $0xFFFFD800  }
0x4c: {  	s0 =	simm.s32 $0x30;
	v1 =	vld [tilespmem:s29+$0xFFFFFFC0]  }
0x4d: {  	v2 =	vld [tilespmem:s0+$0x70];
	_ =	sdelay $0x4  }
0x4e: {  	v1 =	vmul.f32 v1, v2;
	_ =	sdelay $0x1  }
0x4f: {  	(xrf2) =	vadd.scan.msk.f32 $0xffff, v1;
	_ =	sdelay $0x9  }
0x50: {  	v1, _, _ =	vpop (xrf2)  }
0x51: {  	(v2sf) =	vpush v1, $0xF;
	_ =	sdelay $0xe  }
0x52: {  	s24 =	spop (v2sf)  }
0x53: {  	s3 =	smul.f32 $2.500000000e-01, s24;
	_ =	sdelay $0x1  }
0x54: {  	v1 =	vmov s3  }
0x55: {  	v1 =	vmul.f32 $1.442695020e+00, v1;
	_ =	sdelay $0x1  }
0x56: {  	v1 =	vbroadcast v1, $0x0;
	_ =	sdelay $0x1  }
0x57: {  	(erf) = vpow2.f32 v1;
	_ =	sdelay $0x4  }
0x58: {  	v1 =	vld [tilespmem:s29+$0x0];
	_ =	sdelay $0x3  }
0x59: {  	v2 =	vpop (erf)  }
0x5a: {  	v1 =	vmul.f32 v2, v1  }
0x5b: {  	s30 =	simm.s32 $0x3CC0  }
0x5c: {  	[tilespmem:s30+$0xFFFFFFE0] =	vst v1  }
0x5d: {  	v1 =	vld [tilespmem:s0+$0x80]  }
0x5e: {  	v3 =	vld [tilespmem:s29+$0xFFFFFFD0];
	_ =	sdelay $0x4  }
0x5f: {  	v1 =	vmul.f32 v3, v1;
	_ =	sdelay $0x1  }
0x60: {  	(xrf2) =	vadd.scan.msk.f32 $0xffff, v1;
	_ =	sdelay $0x9  }
0x61: {  	v1, _, _ =	vpop (xrf2)  }
0x62: {  	(v2sf) =	vpush v1, $0xF;
	_ =	sdelay $0xe  }
0x63: {  	s24 =	spop (v2sf)  }
0x64: {  	s3 =	smul.f32 $2.500000000e-01, s24;
	_ =	sdelay $0x1  }
0x65: {  	v1 =	vmov s3  }
0x66: {  	v1 =	vmul.f32 $1.442695020e+00, v1;
	_ =	sdelay $0x1  }
0x67: {  	v1 =	vbroadcast v1, $0x0;
	_ =	sdelay $0x1  }
0x68: {  	(erf) = vpow2.f32 v1;
	_ =	sdelay $0x4  }
0x69: {  	v1 =	vld [tilespmem:s29+$0x10];
	_ =	sdelay $0x3  }
0x6a: {  	v3 =	vpop (erf)  }
0x6b: {  	v1 =	vmul.f32 v3, v1;
	_ =	sdelay $0x1  }
0x6c: {  	[tilespmem:s30+$0xFFFFFFF0] =	vst v1  }
0x6d: {  	v1 =	vld [tilespmem:s0+$0x90]  }
0x6e: {  	v4 =	vld [tilespmem:s29+$0xFFFFFFE0];
	_ =	sdelay $0x4  }
0x6f: {  	v1 =	vmul.f32 v4, v1;
	_ =	sdelay $0x1  }
0x70: {  	(xrf2) =	vadd.scan.msk.f32 $0xffff, v1;
	_ =	sdelay $0x9  }
0x71: {  	v1, _, _ =	vpop (xrf2)  }
0x72: {  	(v2sf) =	vpush v1, $0xF;
	_ =	sdelay $0xe  }
0x73: {  	s24 =	spop (v2sf)  }
0x74: {  	s3 =	smul.f32 $2.500000000e-01, s24;
	_ =	sdelay $0x1  }
0x75: {  	v1 =	vmov s3  }
0x76: {  	v1 =	vmul.f32 $1.442695020e+00, v1;
	_ =	sdelay $0x1  }
0x77: {  	v1 =	vbroadcast v1, $0x0;
	_ =	sdelay $0x1  }
0x78: {  	(erf) = vpow2.f32 v1;
	_ =	sdelay $0x4  }
0x79: {  	v1 =	vld [tilespmem:s29+$0x20];
	_ =	sdelay $0x3  }
0x7a: {  	v4 =	vpop (erf)  }
0x7b: {  	v1 =	vmul.f32 v4, v1;
	_ =	sdelay $0x1  }
0x7c: {  	[tilespmem:s30+$0x0] =	vst v1  }
0x7d: {  	v1 =	vld [tilespmem:s0+$0xA0]  }
0x7e: {  	v5 =	vld [tilespmem:s29+$0xFFFFFFF0];
	_ =	sdelay $0x4  }
0x7f: {  	v1 =	vmul.f32 v5, v1;
	_ =	sdelay $0x1  }
0x80: {  	(xrf2) =	vadd.scan.msk.f32 $0xffff, v1;
	_ =	sdelay $0x9  }
0x81: {  	v1, _, _ =	vpop (xrf2)  }
0x82: {  	(v2sf) =	vpush v1, $0xF;
	_ =	sdelay $0xe  }
0x83: {  	s24 =	spop (v2sf)  }
0x84: {  	s0 =	smul.f32 $2.500000000e-01, s24;
	_ =	sdelay $0x1  }
0x85: {  	v1 =	vmov s0  }
0x86: {  	v1 =	vmul.f32 $1.442695020e+00, v1;
	_ =	sdelay $0x1  }
0x87: {  	v1 =	vbroadcast v1, $0x0;
	_ =	sdelay $0x1  }
0x88: {  	(erf) = vpow2.f32 v1;
	_ =	sdelay $0x3  }
0x89: {  	v2 =	vnsel vm0, $0x0, v2  }
0x8a: {  	v2 =	vsel vm1, v2, v3;
	v3 =	vld [tilespmem:s29+$0x30];
	_ =	sdelay $0x1  }
0x8b: {  	s31 =	simm.s32 $0x3CC0;
	s0 =	simm.s32 $0x1C0;
	v1 =	vsel vm2, v2, v4  }
.LBB2_5:
0x8c: {  	_ = 	snop  }
0x8d: {  	p1 =	sne.s32 s0, $0x4FC0;
	s30 =	sadd.s32 $0x50, s30;
	s29 =	sadd.s32 $0x80, s29;
	v2 =	vpop (erf)  }
0x8e: {  	s3 =	smov.u32 s0;
	s0 =	sadd.s32 $0x100, s0;
	v3 =	vmul.f32 v2, v3;
	v1 =	vsel vm3, v1, v2  }
0x8f: {  	[tilespmem:s31+$0x20] =	vst v1  }
0x90: {  	[tilespmem:s31+$0x10] =	vst v3;
	s31 =	smov.u32 s30  }
0x91: {  	s3 =	sshra.s32 s3, $0x2;
	v1 =	vld [tilespmem:s29+$0xFFFFFFC0]  }
0x92: {  	v2 =	vld [tilespmem:s3+$0x70];
	_ =	sdelay $0x4  }
0x93: {  	v1 =	vmul.f32 v1, v2;
	_ =	sdelay $0x1  }
0x94: {  	(xrf2) =	vadd.scan.msk.f32 $0xffff, v1;
	_ =	sdelay $0x9  }
0x95: {  	v1, _, _ =	vpop (xrf2)  }
0x96: {  	(v2sf) =	vpush v1, $0xF;
	_ =	sdelay $0xe  }
0x97: {  	s24 =	spop (v2sf)  }
0x98: {  	s24 =	smul.f32 $2.500000000e-01, s24;
	_ =	sdelay $0x1  }
0x99: {  	v1 =	vmov s24  }
0x9a: {  	v1 =	vmul.f32 $1.442695020e+00, v1;
	_ =	sdelay $0x1  }
0x9b: {  	v1 =	vbroadcast v1, $0x0;
	_ =	sdelay $0x1  }
0x9c: {  	(erf) = vpow2.f32 v1;
	_ =	sdelay $0x4  }
0x9d: {  	v2 =	vld [tilespmem:s29+$0x0];
	_ =	sdelay $0x3  }
0x9e: {  	v1 =	vpop (erf)  }
0x9f: {  	v2 =	vmul.f32 v1, v2;
	_ =	sdelay $0x1  }
0xa0: {  	[tilespmem:s30+$0xFFFFFFE0] =	vst v2  }
0xa1: {  	v2 =	vld [tilespmem:s3+$0x80]  }
0xa2: {  	v3 =	vld [tilespmem:s29+$0xFFFFFFD0];
	_ =	sdelay $0x4  }
0xa3: {  	v2 =	vmul.f32 v3, v2;
	_ =	sdelay $0x1  }
0xa4: {  	(xrf2) =	vadd.scan.msk.f32 $0xffff, v2;
	_ =	sdelay $0x9  }
0xa5: {  	v2, _, _ =	vpop (xrf2)  }
0xa6: {  	(v2sf) =	vpush v2, $0xF;
	_ =	sdelay $0xe  }
0xa7: {  	s24 =	spop (v2sf)  }
0xa8: {  	s24 =	smul.f32 $2.500000000e-01, s24;
	_ =	sdelay $0x1  }
0xa9: {  	v2 =	vmov s24  }
0xaa: {  	v2 =	vmul.f32 $1.442695020e+00, v2;
	_ =	sdelay $0x1  }
0xab: {  	v2 =	vbroadcast v2, $0x0;
	_ =	sdelay $0x1  }
0xac: {  	(erf) = vpow2.f32 v2;
	_ =	sdelay $0x3  }
0xad: {  	v3 =	vld [tilespmem:s29+$0x10];
	_ =	sdelay $0x4  }
0xae: {  	v2 =	vpop (erf)  }
0xaf: {  	v3 =	vmul.f32 v2, v3;
	_ =	sdelay $0x1  }
0xb0: {  	[tilespmem:s30+$0xFFFFFFF0] =	vst v3  }
0xb1: {  	v3 =	vld [tilespmem:s3+$0x90]  }
0xb2: {  	v4 =	vld [tilespmem:s29+$0xFFFFFFE0];
	_ =	sdelay $0x4  }
0xb3: {  	v3 =	vmul.f32 v4, v3;
	_ =	sdelay $0x1  }
0xb4: {  	(xrf2) =	vadd.scan.msk.f32 $0xffff, v3;
	_ =	sdelay $0x9  }
0xb5: {  	v3, _, _ =	vpop (xrf2)  }
0xb6: {  	(v2sf) =	vpush v3, $0xF;
	_ =	sdelay $0xe  }
0xb7: {  	s24 =	spop (v2sf)  }
0xb8: {  	s24 =	smul.f32 $2.500000000e-01, s24;
	_ =	sdelay $0x1  }
0xb9: {  	v3 =	vmov s24  }
0xba: {  	v3 =	vmul.f32 $1.442695020e+00, v3;
	_ =	sdelay $0x1  }
0xbb: {  	v3 =	vbroadcast v3, $0x0;
	_ =	sdelay $0x1  }
0xbc: {  	(erf) = vpow2.f32 v3;
	_ =	sdelay $0x2  }
0xbd: {  	v3 =	vld [tilespmem:s29+$0x20];
	_ =	sdelay $0x5  }
0xbe: {  	v4 =	vpop (erf)  }
0xbf: {  	v3 =	vmul.f32 v4, v3;
	_ =	sdelay $0x1  }
0xc0: {  	[tilespmem:s30+$0x0] =	vst v3  }
0xc1: {  	v3 =	vld [tilespmem:s3+$0xA0]  }
0xc2: {  	v5 =	vld [tilespmem:s29+$0xFFFFFFF0];
	_ =	sdelay $0x4  }
0xc3: {  	v3 =	vmul.f32 v5, v3;
	_ =	sdelay $0x1  }
0xc4: {  	(xrf2) =	vadd.scan.msk.f32 $0xffff, v3;
	_ =	sdelay $0x9  }
0xc5: {  	v3, _, _ =	vpop (xrf2)  }
0xc6: {  	(v2sf) =	vpush v3, $0xF;
	_ =	sdelay $0xe  }
0xc7: {  	s3 =	spop (v2sf)  }
0xc8: {  	s3 =	smul.f32 $2.500000000e-01, s3;
	_ =	sdelay $0x1  }
0xc9: {  	v3 =	vmov s3  }
0xca: {  	v3 =	vmul.f32 $1.442695020e+00, v3;
	_ =	sdelay $0x1  }
0xcb: {  	v3 =	vbroadcast v3, $0x0;
	_ =	sdelay $0x1  }
0xcc: {  	(erf) = vpow2.f32 v3;
	_ =	sdelay $0x1  }
0xcd: {  	v3 =	vld [tilespmem:s29+$0x30]  }
.Ltmp3:
0xce: {  	(pc) =	sbr.rel @p1 .LBB2_5-.Ltmp3, $4  }
0xcf: {  	_ = 	snop  }
0xd0: {  	v1 =	vnsel vm0, $0x0, v1  }
0xd1: {  	v1 =	vsel vm1, v1, v2  }
0xd2: {  	v1 =	vsel vm2, v1, v4  }
0xd3: {  	_ = 	snop  }
0xd4: {  	v2 =	vpop (erf)  }
0xd5: {  	s28 =	sadd.s32 $0x1, s28;
	v3 =	vmul.f32 v2, v3;
	v1 =	vsel vm3, v1, v2  }
0xd6: {  	p1 =	sne.s32 s28, $0xFA;
	[tilespmem:s31+$0x20] =	vst v1  }
.Ltmp4:
0xd7: {  	[tilespmem:s31+$0x10] =	vst v3;
	(pc) =	sbr.rel @p1 .LBB2_4-.Ltmp4, $4  }
0xd8: {  	[spmem:s1] =	stream.indirect.scatter.add.f32 [tilespmem:s20], [sflag:$0x2], $0x50, s16, s16, $0xb8;
	[tilespmem:$0x18970] =	vst v63  }
0xd9: {  	_ =	swait.ge [sflag:s15], $0x1900  }
0xda: {  	[sflag:s15] =	ssyncset.done $0x0  }
0xdb: {  	[sflag:s15] =	ssyncadd.s32 $0xFFFFE700  }
0xdc: {  	[bflag:$0x0] =	sbarrier.arrive $0xFFFF  }
0xdd: {  	[tilespmem:s14], [sflag:$0x2] =	stream.linear.gather [spmem:s6], $0x3E80, $0x38;
	[tilespmem:$0x18970] =	vst v63  }
0xde: {  	_ =	swait.ge [sflag:s15], $0x3E80  }
0xdf: {  	[sflag:s15] =	ssyncset.done $0x0  }
0xe0: {  	s0 =	simm.s32 $0x55C0;
	[sflag:s15] =	ssyncadd.s32 $0xFFFFC180  }
0xe1: {  	v1 =	vld [tilespmem:s0+$0x20];
	_ =	sdelay $0x4  }
0xe2: {  	(v2sf) =	vpush v1, $0x0;
	_ =	sdelay $0x6  }
0xe3: {  	(v2sf) =	vpush v1, $0x1;
	_ =	sdelay $0x7  }
0xe4: {  	s3 =	spop (v2sf);
	(v2sf) =	vpush v1, $0x2  }
0xe5: {  	s3 =	sadd.f32 $1.000000020e-16, s3;
	_ =	sdelay $0x1  }
0xe6: {  	v2 =	vmov s3  }
0xe7: {  	(erf) = vrcp.f32 v2;
	_ =	sdelay $0x2  }
0xe8: {  	s29 =	spop (v2sf)  }
0xe9: {  	(v2sf) =	vpush v1, $0x3;
	s3 =	sadd.f32 $1.000000020e-16, s29  }
0xea: {  	v1 =	vld [tilespmem:s0+$0xFFFFFFE0]  }
0xeb: {  	v2 =	vmov s3;
	_ =	sdelay $0x1  }
0xec: {  	(erf) = vrcp.f32 v2  }
0xed: {  	v2 =	vpop (erf)  }
0xee: {  	v1 =	vmul.f32 v2, v1  }
0xef: {  	s28 =	simm.s32 $0x0;
	s30 =	spop (v2sf)  }
0xf0: {  	[tilespmem:s28+$0x9420] =	vst v1;
	s3 =	sadd.f32 $1.000000020e-16, s30  }
0xf1: {  	v1 =	vld [tilespmem:s0+$0xFFFFFFF0]  }
0xf2: {  	v2 =	vmov s3;
	_ =	sdelay $0x1  }
0xf3: {  	(erf) = vrcp.f32 v2  }
0xf4: {  	v2 =	vpop (erf)  }
0xf5: {  	v1 =	vmul.f32 v2, v1  }
0xf6: {  	s31 =	spop (v2sf)  }
0xf7: {  	s3 =	sadd.f32 $1.000000020e-16, s31;
	[tilespmem:s28+$0x9430] =	vst v1  }
0xf8: {  	v1 =	vld [tilespmem:s0+$0x0]  }
0xf9: {  	v2 =	vmov s3;
	_ =	sdelay $0x1  }
0xfa: {  	(erf) = vrcp.f32 v2  }
0xfb: {  	v2 =	vpop (erf)  }
0xfc: {  	v1 =	vmul.f32 v2, v1;
	_ =	sdelay $0x1  }
0xfd: {  	[tilespmem:s28+$0x9440] =	vst v1  }
0xfe: {  	v1 =	vld [tilespmem:s0+$0x10];
	_ =	sdelay $0x3  }
0xff: {  	v2 =	vpop (erf)  }
0x100: {  	s3 =	simm.s32 $0x100;
	v1 =	vmul.f32 v1, v2  }
.LBB2_8:
0x101: {  	p1 =	sne.s32 s3, $0xC700  }
0x102: {  	s0 =	sadd.s32 $0x50, s0;
	s24 =	smov.u32 s3;
	s3 =	sadd.s32 $0x100, s3;
	[tilespmem:s28+$0x9450] =	vst v1  }
0x103: {  	v1 =	vld [tilespmem:s0+$0x20];
	_ =	sdelay $0x4  }
0x104: {  	(v2sf) =	vpush v1, $0x0  }
0x105: {  	(v2sf) =	vpush v1, $0x1  }
0x106: {  	(v2sf) =	vpush v1, $0x2  }
0x107: {  	(v2sf) =	vpush v1, $0x3;
	_ =	sdelay $0xb  }
0x108: {  	s28 =	spop (v2sf)  }
0x109: {  	s28 =	sadd.f32 $1.000000020e-16, s28;
	s29 =	spop (v2sf)  }
0x10a: {  	s29 =	sadd.f32 $1.000000020e-16, s29;
	s30 =	spop (v2sf)  }
0x10b: {  	v1 =	vmov s28;
	s28 =	sadd.f32 $1.000000020e-16, s30;
	s30 =	spop (v2sf)  }
0x10c: {  	v2 =	vmov s29;
	s29 =	sadd.f32 $1.000000020e-16, s30;
	(erf) = vrcp.f32 v1  }
0x10d: {  	v1 =	vmov s28  }
0x10e: {  	v3 =	vmov s29;
	_ =	sdelay $0x2  }
0x10f: {  	v4 =	vld [tilespmem:s0+$0xFFFFFFE0];
	_ =	sdelay $0x2  }
0x110: {  	(erf) = vrcp.f32 v2  }
0x111: {  	v2 =	vpop (erf)  }
0x112: {  	v2 =	vmul.f32 v2, v4  }
0x113: {  	s28 =	sshra.s32 s24, $0x2  }
0x114: {  	[tilespmem:s28+$0x9420] =	vst v2  }
0x115: {  	v2 =	vld [tilespmem:s0+$0xFFFFFFF0];
	_ =	sdelay $0x2  }
0x116: {  	(erf) = vrcp.f32 v1  }
0x117: {  	v1 =	vpop (erf)  }
0x118: {  	v1 =	vmul.f32 v1, v2;
	_ =	sdelay $0x1  }
0x119: {  	[tilespmem:s28+$0x9430] =	vst v1  }
0x11a: {  	v1 =	vld [tilespmem:s0+$0x0];
	_ =	sdelay $0x2  }
0x11b: {  	(erf) = vrcp.f32 v3  }
0x11c: {  	v2 =	vpop (erf)  }
0x11d: {  	v1 =	vmul.f32 v2, v1;
	_ =	sdelay $0x1  }
0x11e: {  	[tilespmem:s28+$0x9440] =	vst v1  }
0x11f: {  	v1 =	vld [tilespmem:s0+$0x10]  }
.Ltmp5:
0x120: {  	(pc) =	sbr.rel @p1 .LBB2_8-.Ltmp5, $3  }
0x121: {  	_ =	sdelay $0x1  }
0x122: {  	v2 =	vpop (erf)  }
0x123: {  	v1 =	vmul.f32 v1, v2  }
0x124: {  	_ = 	snop  }
0x125: {  	s0 =	simm.s32 $0x0;
	[tilespmem:s28+$0x9450] =	vst v1  }
0x126: {  	[hbm4b:s21+s0] =	stream.linear.scatter [tilespmem:s25], [sflag:$0x2], $0x3200, $0x38;
	[tilespmem:$0x18970] =	vst v63  }
0x127: {  	_ =	swait.ge [sflag:s15], $0x3200  }
0x128: {  	[sflag:s15] =	ssyncset.done $0x0  }
0x129: {  	[sflag:s15] =	ssyncadd.s32 $0xFFFFCE00  }
0x12a: {  	[tilespmem:s14], [sflag:$0x2] =	stream.linear.gather [spmem:s8], $0x3E80, $0x38;
	[tilespmem:$0x18970] =	vst v63  }
0x12b: {  	_ =	swait.ge [sflag:s15], $0x3E80  }
0x12c: {  	[sflag:s15] =	ssyncset.done $0x0  }
0x12d: {  	s0 =	simm.s32 $0x55C0;
	[sflag:s15] =	ssyncadd.s32 $0xFFFFC180  }
0x12e: {  	v1 =	vld [tilespmem:s0+$0x20];
	_ =	sdelay $0x4  }
0x12f: {  	(v2sf) =	vpush v1, $0x0;
	_ =	sdelay $0x6  }
0x130: {  	(v2sf) =	vpush v1, $0x1;
	_ =	sdelay $0x7  }
0x131: {  	s3 =	spop (v2sf);
	(v2sf) =	vpush v1, $0x2  }
0x132: {  	s3 =	sadd.f32 $1.000000020e-16, s3;
	_ =	sdelay $0x1  }
0x133: {  	v2 =	vmov s3  }
0x134: {  	(erf) = vrcp.f32 v2;
	_ =	sdelay $0x2  }
0x135: {  	s29 =	spop (v2sf)  }
0x136: {  	(v2sf) =	vpush v1, $0x3;
	s3 =	sadd.f32 $1.000000020e-16, s29  }
0x137: {  	v1 =	vld [tilespmem:s0+$0xFFFFFFE0]  }
0x138: {  	v2 =	vmov s3;
	_ =	sdelay $0x1  }
0x139: {  	(erf) = vrcp.f32 v2  }
0x13a: {  	v2 =	vpop (erf)  }
0x13b: {  	v1 =	vmul.f32 v2, v1  }
0x13c: {  	s28 =	simm.s32 $0x0;
	s30 =	spop (v2sf)  }
0x13d: {  	[tilespmem:s28+$0x9420] =	vst v1;
	s3 =	sadd.f32 $1.000000020e-16, s30  }
0x13e: {  	v1 =	vld [tilespmem:s0+$0xFFFFFFF0]  }
0x13f: {  	v2 =	vmov s3;
	_ =	sdelay $0x1  }
0x140: {  	(erf) = vrcp.f32 v2  }
0x141: {  	v2 =	vpop (erf)  }
0x142: {  	v1 =	vmul.f32 v2, v1  }
0x143: {  	s31 =	spop (v2sf)  }
0x144: {  	s3 =	sadd.f32 $1.000000020e-16, s31;
	[tilespmem:s28+$0x9430] =	vst v1  }
0x145: {  	v1 =	vld [tilespmem:s0+$0x0]  }
0x146: {  	v2 =	vmov s3;
	_ =	sdelay $0x1  }
0x147: {  	(erf) = vrcp.f32 v2  }
0x148: {  	v2 =	vpop (erf)  }
0x149: {  	v1 =	vmul.f32 v2, v1;
	_ =	sdelay $0x1  }
0x14a: {  	[tilespmem:s28+$0x9440] =	vst v1  }
0x14b: {  	v1 =	vld [tilespmem:s0+$0x10];
	_ =	sdelay $0x3  }
0x14c: {  	v2 =	vpop (erf)  }
0x14d: {  	s3 =	simm.s32 $0x100;
	v1 =	vmul.f32 v1, v2  }
.LBB2_10:
0x14e: {  	p1 =	sne.s32 s3, $0xC700  }
0x14f: {  	s0 =	sadd.s32 $0x50, s0;
	s24 =	smov.u32 s3;
	s3 =	sadd.s32 $0x100, s3;
	[tilespmem:s28+$0x9450] =	vst v1  }
0x150: {  	v1 =	vld [tilespmem:s0+$0x20];
	_ =	sdelay $0x4  }
0x151: {  	(v2sf) =	vpush v1, $0x0  }
0x152: {  	(v2sf) =	vpush v1, $0x1  }
0x153: {  	(v2sf) =	vpush v1, $0x2  }
0x154: {  	(v2sf) =	vpush v1, $0x3;
	_ =	sdelay $0xb  }
0x155: {  	s28 =	spop (v2sf)  }
0x156: {  	s28 =	sadd.f32 $1.000000020e-16, s28;
	s29 =	spop (v2sf)  }
0x157: {  	s29 =	sadd.f32 $1.000000020e-16, s29;
	s30 =	spop (v2sf)  }
0x158: {  	v1 =	vmov s28;
	s28 =	sadd.f32 $1.000000020e-16, s30;
	s30 =	spop (v2sf)  }
0x159: {  	v2 =	vmov s29;
	s29 =	sadd.f32 $1.000000020e-16, s30;
	(erf) = vrcp.f32 v1  }
0x15a: {  	v1 =	vmov s28  }
0x15b: {  	v3 =	vmov s29;
	_ =	sdelay $0x2  }
0x15c: {  	v4 =	vld [tilespmem:s0+$0xFFFFFFE0];
	_ =	sdelay $0x2  }
0x15d: {  	(erf) = vrcp.f32 v2  }
0x15e: {  	v2 =	vpop (erf)  }
0x15f: {  	v2 =	vmul.f32 v2, v4  }
0x160: {  	s28 =	sshra.s32 s24, $0x2  }
0x161: {  	[tilespmem:s28+$0x9420] =	vst v2  }
0x162: {  	v2 =	vld [tilespmem:s0+$0xFFFFFFF0];
	_ =	sdelay $0x2  }
0x163: {  	(erf) = vrcp.f32 v1  }
0x164: {  	v1 =	vpop (erf)  }
0x165: {  	v1 =	vmul.f32 v1, v2;
	_ =	sdelay $0x1  }
0x166: {  	[tilespmem:s28+$0x9430] =	vst v1  }
0x167: {  	v1 =	vld [tilespmem:s0+$0x0];
	_ =	sdelay $0x2  }
0x168: {  	(erf) = vrcp.f32 v3  }
0x169: {  	v2 =	vpop (erf)  }
0x16a: {  	v1 =	vmul.f32 v2, v1;
	_ =	sdelay $0x1  }
0x16b: {  	[tilespmem:s28+$0x9440] =	vst v1  }
0x16c: {  	v1 =	vld [tilespmem:s0+$0x10]  }
.Ltmp6:
0x16d: {  	(pc) =	sbr.rel @p1 .LBB2_10-.Ltmp6, $3  }
0x16e: {  	_ =	sdelay $0x1  }
0x16f: {  	v2 =	vpop (erf)  }
0x170: {  	v1 =	vmul.f32 v1, v2  }
0x171: {  	_ = 	snop  }
0x172: {  	s0 =	simm.s32 $0x0;
	[tilespmem:s28+$0x9450] =	vst v1  }
0x173: {  	[hbm4b:s22+s0] =	stream.linear.scatter [tilespmem:s25], [sflag:$0x2], $0x3200, $0x38;
	[tilespmem:$0x18970] =	vst v63  }
0x174: {  	_ =	swait.ge [sflag:s15], $0x3200  }
0x175: {  	[sflag:s15] =	ssyncset.done $0x0  }
0x176: {  	[sflag:s15] =	ssyncadd.s32 $0xFFFFCE00  }
0x177: {  	[tilespmem:s14], [sflag:$0x2] =	stream.linear.gather [spmem:s9], $0x3E80, $0x38;
	[tilespmem:$0x18970] =	vst v63  }
0x178: {  	_ =	swait.ge [sflag:s15], $0x3E80  }
0x179: {  	[sflag:s15] =	ssyncset.done $0x0  }
0x17a: {  	s0 =	simm.s32 $0x55C0;
	[sflag:s15] =	ssyncadd.s32 $0xFFFFC180  }
0x17b: {  	v1 =	vld [tilespmem:s0+$0x20];
	_ =	sdelay $0x4  }
0x17c: {  	(v2sf) =	vpush v1, $0x0;
	_ =	sdelay $0x6  }
0x17d: {  	(v2sf) =	vpush v1, $0x1;
	_ =	sdelay $0x7  }
0x17e: {  	s3 =	spop (v2sf);
	(v2sf) =	vpush v1, $0x2  }
0x17f: {  	s3 =	sadd.f32 $1.000000020e-16, s3;
	_ =	sdelay $0x1  }
0x180: {  	v2 =	vmov s3  }
0x181: {  	(erf) = vrcp.f32 v2;
	_ =	sdelay $0x2  }
0x182: {  	s29 =	spop (v2sf)  }
0x183: {  	(v2sf) =	vpush v1, $0x3;
	s3 =	sadd.f32 $1.000000020e-16, s29  }
0x184: {  	v1 =	vld [tilespmem:s0+$0xFFFFFFE0]  }
0x185: {  	v2 =	vmov s3;
	_ =	sdelay $0x1  }
0x186: {  	(erf) = vrcp.f32 v2  }
0x187: {  	v2 =	vpop (erf)  }
0x188: {  	v1 =	vmul.f32 v2, v1  }
0x189: {  	s28 =	simm.s32 $0x0;
	s30 =	spop (v2sf)  }
0x18a: {  	[tilespmem:s28+$0x9420] =	vst v1;
	s3 =	sadd.f32 $1.000000020e-16, s30  }
0x18b: {  	v1 =	vld [tilespmem:s0+$0xFFFFFFF0]  }
0x18c: {  	v2 =	vmov s3;
	_ =	sdelay $0x1  }
0x18d: {  	(erf) = vrcp.f32 v2  }
0x18e: {  	v2 =	vpop (erf)  }
0x18f: {  	v1 =	vmul.f32 v2, v1  }
0x190: {  	s31 =	spop (v2sf)  }
0x191: {  	s3 =	sadd.f32 $1.000000020e-16, s31;
	[tilespmem:s28+$0x9430] =	vst v1  }
0x192: {  	v1 =	vld [tilespmem:s0+$0x0]  }
0x193: {  	v2 =	vmov s3;
	_ =	sdelay $0x1  }
0x194: {  	(erf) = vrcp.f32 v2  }
0x195: {  	v2 =	vpop (erf)  }
0x196: {  	v1 =	vmul.f32 v2, v1;
	_ =	sdelay $0x1  }
0x197: {  	[tilespmem:s28+$0x9440] =	vst v1  }
0x198: {  	v1 =	vld [tilespmem:s0+$0x10];
	_ =	sdelay $0x3  }
0x199: {  	v2 =	vpop (erf)  }
0x19a: {  	s3 =	simm.s32 $0x100;
	v1 =	vmul.f32 v1, v2  }
.LBB2_12:
0x19b: {  	p1 =	sne.s32 s3, $0xC700  }
0x19c: {  	s0 =	sadd.s32 $0x50, s0;
	s24 =	smov.u32 s3;
	s3 =	sadd.s32 $0x100, s3;
	[tilespmem:s28+$0x9450] =	vst v1  }
0x19d: {  	v1 =	vld [tilespmem:s0+$0x20];
	_ =	sdelay $0x4  }
0x19e: {  	(v2sf) =	vpush v1, $0x0  }
0x19f: {  	(v2sf) =	vpush v1, $0x1  }
0x1a0: {  	(v2sf) =	vpush v1, $0x2  }
0x1a1: {  	(v2sf) =	vpush v1, $0x3;
	_ =	sdelay $0xb  }
0x1a2: {  	s28 =	spop (v2sf)  }
0x1a3: {  	s28 =	sadd.f32 $1.000000020e-16, s28;
	s29 =	spop (v2sf)  }
0x1a4: {  	s29 =	sadd.f32 $1.000000020e-16, s29;
	s30 =	spop (v2sf)  }
0x1a5: {  	v1 =	vmov s28;
	s28 =	sadd.f32 $1.000000020e-16, s30;
	s30 =	spop (v2sf)  }
0x1a6: {  	v2 =	vmov s29;
	s29 =	sadd.f32 $1.000000020e-16, s30;
	(erf) = vrcp.f32 v1  }
0x1a7: {  	v1 =	vmov s28  }
0x1a8: {  	v3 =	vmov s29;
	_ =	sdelay $0x2  }
0x1a9: {  	v4 =	vld [tilespmem:s0+$0xFFFFFFE0];
	_ =	sdelay $0x2  }
0x1aa: {  	(erf) = vrcp.f32 v2  }
0x1ab: {  	v2 =	vpop (erf)  }
0x1ac: {  	v2 =	vmul.f32 v2, v4  }
0x1ad: {  	s28 =	sshra.s32 s24, $0x2  }
0x1ae: {  	[tilespmem:s28+$0x9420] =	vst v2  }
0x1af: {  	v2 =	vld [tilespmem:s0+$0xFFFFFFF0];
	_ =	sdelay $0x2  }
0x1b0: {  	(erf) = vrcp.f32 v1  }
0x1b1: {  	v1 =	vpop (erf)  }
0x1b2: {  	v1 =	vmul.f32 v1, v2;
	_ =	sdelay $0x1  }
0x1b3: {  	[tilespmem:s28+$0x9430] =	vst v1  }
0x1b4: {  	v1 =	vld [tilespmem:s0+$0x0];
	_ =	sdelay $0x2  }
0x1b5: {  	(erf) = vrcp.f32 v3  }
0x1b6: {  	v2 =	vpop (erf)  }
0x1b7: {  	v1 =	vmul.f32 v2, v1;
	_ =	sdelay $0x1  }
0x1b8: {  	[tilespmem:s28+$0x9440] =	vst v1  }
0x1b9: {  	v1 =	vld [tilespmem:s0+$0x10]  }
.Ltmp7:
0x1ba: {  	(pc) =	sbr.rel @p1 .LBB2_12-.Ltmp7, $3  }
0x1bb: {  	_ =	sdelay $0x1  }
0x1bc: {  	v2 =	vpop (erf)  }
0x1bd: {  	v1 =	vmul.f32 v1, v2  }
0x1be: {  	_ = 	snop  }
.Ltmp8:
0x1bf: {  	[tilespmem:s28+$0x9450] =	vst v1;
	(pc) =	sbr.rel @p0 .LBB2_17-.Ltmp8, $4  }
0x1c0: {  	[hbm4b:s23+s2] =	stream.linear.scatter [tilespmem:s25], [sflag:$0x2], $0x3200, $0x38;
	[tilespmem:$0x18970] =	vst v63  }
0x1c1: {  	_ =	swait.ge [sflag:s15], $0x3200  }
0x1c2: {  	[sflag:s15] =	ssyncset.done $0x0  }
0x1c3: {  	[sflag:s15] =	ssyncadd.s32 $0xFFFFCE00  }
0x1c4: {  	[tilespmem:s14], [sflag:$0x2] =	stream.linear.gather [spmem:s10], $0x3E80, $0x38;
	[tilespmem:$0x18970] =	vst v63  }
0x1c5: {  	_ =	swait.ge [sflag:s15], $0x3E80  }
0x1c6: {  	[sflag:s15] =	ssyncset.done $0x0  }
0x1c7: {  	s0 =	simm.s32 $0x55C0;
	[sflag:s15] =	ssyncadd.s32 $0xFFFFC180  }
0x1c8: {  	v1 =	vld [tilespmem:s0+$0x20];
	_ =	sdelay $0x4  }
0x1c9: {  	(v2sf) =	vpush v1, $0x0;
	_ =	sdelay $0x6  }
0x1ca: {  	(v2sf) =	vpush v1, $0x1;
	_ =	sdelay $0x7  }
0x1cb: {  	s3 =	spop (v2sf);
	(v2sf) =	vpush v1, $0x2  }
0x1cc: {  	s3 =	sadd.f32 $1.000000020e-16, s3;
	_ =	sdelay $0x1  }
0x1cd: {  	v2 =	vmov s3  }
0x1ce: {  	(erf) = vrcp.f32 v2;
	_ =	sdelay $0x2  }
0x1cf: {  	s29 =	spop (v2sf)  }
0x1d0: {  	(v2sf) =	vpush v1, $0x3;
	s3 =	sadd.f32 $1.000000020e-16, s29  }
0x1d1: {  	v1 =	vld [tilespmem:s0+$0xFFFFFFE0]  }
0x1d2: {  	v2 =	vmov s3;
	_ =	sdelay $0x1  }
0x1d3: {  	(erf) = vrcp.f32 v2  }
0x1d4: {  	v2 =	vpop (erf)  }
0x1d5: {  	v1 =	vmul.f32 v2, v1  }
0x1d6: {  	s28 =	simm.s32 $0x0;
	s30 =	spop (v2sf)  }
0x1d7: {  	[tilespmem:s28+$0x9420] =	vst v1;
	s3 =	sadd.f32 $1.000000020e-16, s30  }
0x1d8: {  	v1 =	vld [tilespmem:s0+$0xFFFFFFF0]  }
0x1d9: {  	v2 =	vmov s3;
	_ =	sdelay $0x1  }
0x1da: {  	(erf) = vrcp.f32 v2  }
0x1db: {  	v2 =	vpop (erf)  }
0x1dc: {  	v1 =	vmul.f32 v2, v1  }
0x1dd: {  	s31 =	spop (v2sf)  }
0x1de: {  	s3 =	sadd.f32 $1.000000020e-16, s31;
	[tilespmem:s28+$0x9430] =	vst v1  }
0x1df: {  	v1 =	vld [tilespmem:s0+$0x0]  }
0x1e0: {  	v2 =	vmov s3;
	_ =	sdelay $0x1  }
0x1e1: {  	(erf) = vrcp.f32 v2  }
0x1e2: {  	v2 =	vpop (erf)  }
0x1e3: {  	v1 =	vmul.f32 v2, v1;
	_ =	sdelay $0x1  }
0x1e4: {  	[tilespmem:s28+$0x9440] =	vst v1  }
0x1e5: {  	v1 =	vld [tilespmem:s0+$0x10];
	_ =	sdelay $0x3  }
0x1e6: {  	v2 =	vpop (erf)  }
0x1e7: {  	s3 =	simm.s32 $0x100;
	v1 =	vmul.f32 v1, v2  }
.LBB2_15:
0x1e8: {  	p1 =	sne.s32 s3, $0xC700  }
0x1e9: {  	s0 =	sadd.s32 $0x50, s0;
	s24 =	smov.u32 s3;
	s3 =	sadd.s32 $0x100, s3;
	[tilespmem:s28+$0x9450] =	vst v1  }
0x1ea: {  	v1 =	vld [tilespmem:s0+$0x20];
	_ =	sdelay $0x4  }
0x1eb: {  	(v2sf) =	vpush v1, $0x0  }
0x1ec: {  	(v2sf) =	vpush v1, $0x1  }
0x1ed: {  	(v2sf) =	vpush v1, $0x2  }
0x1ee: {  	(v2sf) =	vpush v1, $0x3;
	_ =	sdelay $0xb  }
0x1ef: {  	s28 =	spop (v2sf)  }
0x1f0: {  	s28 =	sadd.f32 $1.000000020e-16, s28;
	s29 =	spop (v2sf)  }
0x1f1: {  	s29 =	sadd.f32 $1.000000020e-16, s29;
	s30 =	spop (v2sf)  }
0x1f2: {  	v1 =	vmov s28;
	s28 =	sadd.f32 $1.000000020e-16, s30;
	s30 =	spop (v2sf)  }
0x1f3: {  	v2 =	vmov s29;
	s29 =	sadd.f32 $1.000000020e-16, s30;
	(erf) = vrcp.f32 v1  }
0x1f4: {  	v1 =	vmov s28  }
0x1f5: {  	v3 =	vmov s29;
	_ =	sdelay $0x2  }
0x1f6: {  	v4 =	vld [tilespmem:s0+$0xFFFFFFE0];
	_ =	sdelay $0x2  }
0x1f7: {  	(erf) = vrcp.f32 v2  }
0x1f8: {  	v2 =	vpop (erf)  }
0x1f9: {  	v2 =	vmul.f32 v2, v4  }
0x1fa: {  	s28 =	sshra.s32 s24, $0x2  }
0x1fb: {  	[tilespmem:s28+$0x9420] =	vst v2  }
0x1fc: {  	v2 =	vld [tilespmem:s0+$0xFFFFFFF0];
	_ =	sdelay $0x2  }
0x1fd: {  	(erf) = vrcp.f32 v1  }
0x1fe: {  	v1 =	vpop (erf)  }
0x1ff: {  	v1 =	vmul.f32 v1, v2;
	_ =	sdelay $0x1  }
0x200: {  	[tilespmem:s28+$0x9430] =	vst v1  }
0x201: {  	v1 =	vld [tilespmem:s0+$0x0];
	_ =	sdelay $0x2  }
0x202: {  	(erf) = vrcp.f32 v3  }
0x203: {  	v2 =	vpop (erf)  }
0x204: {  	v1 =	vmul.f32 v2, v1;
	_ =	sdelay $0x1  }
0x205: {  	[tilespmem:s28+$0x9440] =	vst v1  }
0x206: {  	v1 =	vld [tilespmem:s0+$0x10]  }
.Ltmp9:
0x207: {  	(pc) =	sbr.rel @p1 .LBB2_15-.Ltmp9, $3  }
0x208: {  	_ =	sdelay $0x1  }
0x209: {  	v2 =	vpop (erf)  }
0x20a: {  	v1 =	vmul.f32 v1, v2  }
0x20b: {  	_ = 	snop  }
.Ltmp10:
0x20c: {  	s0 =	rddreg [dreg:$0x4];
	[tilespmem:s28+$0x9450] =	vst v1;
	(pc) =	sbr.rel .LBB2_17-.Ltmp10, $4  }
0x20d: {  	[hbm4b:s0+s2] =	stream.linear.scatter [tilespmem:s25], [sflag:$0x2], $0x3200, $0x38;
	[tilespmem:$0x18970] =	vst v63  }
0x20e: {  	_ =	swait.ge [sflag:s15], $0x3200  }
0x20f: {  	[sflag:s15] =	ssyncset.done $0x0  }
0x210: {  	[sflag:s15] =	ssyncadd.s32 $0xFFFFCE00  }
.LBB2_18:
0x211: {  	_ =	sfence.sel $0x180000  }
0x212: {  	[bflag:$0x0] =	sbarrier.arrive $0xFFFF  }
0x213: {  	_ =	strace $0x90000047  }
0x214: {  	s0 =	stileid.u32;
	[bflag:$0x2] =	sbarrier.arrive $0xFFFF  }
0x215: {  	p0 =	sne.s32 s0, $0x0;
	s0 =	rddreg [dreg:$0x3]  }
0x216: {  	s0 =	sadd.s32 @!p0 $0x100000, s0  }
0x217: {  	[sflag:s0] =	ssyncadd.tile.s32 @!p0 $0x1;
	_ =	shalt  }
.Lfunc_end2:
_tile_overlayer_lowered:
.L_overlay_start_2:
0x218: {  	(tag) =	ssettag $0x2  }
0x219: {  	s0 =	rddreg [dreg:$0x0];
	s2 =	stileid.u32  }
0x21a: {  	s1 =	rddreg [dreg:$0x1];
	p0 =	sne.s32 s2, $0x0  }
0x21b: {  	s3 =	rddreg [dreg:$0x2];
	[bflag:$0x3] =	sbarrier.arrive $0xFFFF;
	s2 =	simm.s32 @!p0 $0x1C02  }
0x21c: {  	[timem:s3], [sflag:s2] =	dma.local @!p0 [hbm:s0], s1  }
0x21d: {  	s0 =	simm.s32 @!p0 $0x2  }
0x21e: {  	_ =	swait.ge @!p0 [sflag:s0], s1  }
0x21f: {  	s1 =	ssub.s32 @!p0 $0x0, s1;
	[sflag:s0] =	ssyncset.done @!p0 $0x0  }
0x220: {  	[sflag:s0] =	ssyncadd.s32 @!p0 s1  }
0x221: {  	[bflag:$0x3] =	sbarrier.arrive $0xFFFF  }
0x222: {  	_ =	shalt  }

</sc_bundles>
